<compile_context>
chip_gen: v7x
topology: tpu7x:2x2x1
jax: 0.10.2.dev20260603
libtpu: 0.0.44.dev20260713+nightly
codegen_flags: <defaults>
</compile_context>

<pallas_src>
import functools
import math

import jax
import jax.numpy as jnp
from jax import lax
from jax.experimental import pallas as pl
from jax.experimental.pallas import tpu as pltpu
from jax.experimental.pallas import tpu_sc as plsc

D = 512
_NC, _NS = 2, 16
_NW = _NC * _NS
_CHUNK = 200


@functools.lru_cache(maxsize=None)
def _make_sc_gather(n_rows, d):
    per_w = n_rows // _NW
    n_iter = per_w // _CHUNK
    assert per_w % _CHUNK == 0 and per_w % 8 == 0 and _CHUNK % 8 == 0
    mesh = plsc.VectorSubcoreMesh(core_axis_name="c", subcore_axis_name="s",
                                  num_cores=_NC, num_subcores=_NS)
    out_sds = jax.ShapeDtypeStruct((n_rows, d), jnp.float32)

    @functools.partial(
        pl.kernel,
        mesh=mesh,
        out_type=[out_sds, out_sds, out_sds],
        scratch_types=[
            pltpu.VMEM((per_w,), jnp.int32),
            pltpu.VMEM((_CHUNK, d), jnp.float32),
            pltpu.SemaphoreType.DMA,
        ],
    )
    def gather3(dx_tab, rx_tab, lab_tab, dx_idx, rx_idx, lab_idx,
                out_dx, out_rx, out_lab, idx_v, rows_v, sem):
        wid = lax.axis_index("s") * _NC + lax.axis_index("c")
        base = wid * per_w
        for tab, idx_hbm, out_hbm in ((dx_tab, dx_idx, out_dx),
                                      (rx_tab, rx_idx, out_rx),
                                      (lab_tab, lab_idx, out_lab)):
            pltpu.sync_copy(idx_hbm.at[pl.ds(base, per_w)], idx_v)

            def body(i, carry, tab=tab, out_hbm=out_hbm):
                off = i * _CHUNK
                pltpu.async_copy(
                    tab.at[idx_v.at[pl.ds(off, _CHUNK)]], rows_v, sem).wait()
                pltpu.sync_copy(rows_v, out_hbm.at[pl.ds(base + off, _CHUNK)])
                return carry

            lax.fori_loop(0, n_iter, body, 0)

    return gather3


def _tc_body(g_dx, dx_t, dx_m, g_rx, rx_t, rx_m, g_lab, lab_t, lab_m, lab_v,
             demo, ds, demo_W, demo_b, ds_W, ds_b, vp_W1, vp_b1, vp_W2, vp_b2,
             ln_g, ln_b, divp, phase, pos,
             o_demo, o_dx, o_rx, o_lab, o_cls):
    lng = ln_g[...]
    lnb = ln_b[...]

    def ln(x):
        mu = jnp.mean(x, axis=-1, keepdims=True)
        xc = x - mu
        var = jnp.mean(xc * xc, axis=-1, keepdims=True)
        return xc * lax.rsqrt(var + 1e-5) * lng + lnb

    dv = divp[...]
    ph = phase[...]
    p = pos[...]

    def stream(g, t, m, o_ref, extra=None):
        pe = jnp.sin(t * dv + ph)
        e = g + pe + p
        if extra is not None:
            e = e + extra
        o_ref[...] = ln(e) * m

    stream(g_dx[...], dx_t[...], dx_m[...], o_dx)
    stream(g_rx[...], rx_t[...], rx_m[...], o_rx)

    h = jnp.maximum(lab_v[...] * vp_W1[...] + vp_b1[...], 0.0)
    val_emb = jnp.dot(h, vp_W2[...],
                      preferred_element_type=jnp.float32) + vp_b2[...]
    stream(g_lab[...], lab_t[...], lab_m[...], o_lab, extra=val_emb)

    o_demo[...] = jnp.dot(demo[...], demo_W[...],
                          preferred_element_type=jnp.float32) + demo_b[...]

    dsx = ds[...]
    mean = (dsx[:, 0, :] + dsx[:, 1, :]) * 0.5
    c = jnp.dot(mean, ds_W[...],
                preferred_element_type=jnp.float32) + ds_b[...]
    o_cls[...] = ln(c)


def _sin_consts(d):
    half = d // 2
    i = jnp.arange(half, dtype=jnp.float32)
    div = jnp.exp(-(math.log(10000.0)) * (2.0 * i) / d)
    div_full = jnp.repeat(div, 2).reshape(1, d)
    phase = jnp.tile(jnp.array([0.0, math.pi / 2.0], jnp.float32), half)
    return div_full, phase.reshape(1, d)


def kernel(demographic, dx_codes, dx_times, dx_mask, rx_codes, rx_times,
           rx_mask, lab_codes, lab_times, lab_values, lab_mask, ds_embeddings,
           demo_W, demo_b, dx_table, rx_table, lab_table, ds_W, ds_b,
           vp_W1, vp_b1, vp_W2, vp_b2, ln_g, ln_b):
    B, S = dx_codes.shape
    BS = B * S
    BB = 8
    R = BB * S
    NB = B // BB

    g_dx, g_rx, g_lab = _make_sc_gather(BS, D)(
        dx_table, rx_table, lab_table,
        dx_codes.reshape(-1).astype(jnp.int32),
        rx_codes.reshape(-1).astype(jnp.int32),
        lab_codes.reshape(-1).astype(jnp.int32))

    div_full, phase = _sin_consts(D)
    pos_tile = jnp.tile(
        jnp.sin(jnp.arange(S, dtype=jnp.float32).reshape(S, 1) * div_full
                + phase), (BB, 1))

    col = lambda x: x.reshape(BS, 1)
    row_spec = pl.BlockSpec((R, D), lambda i: (i, 0))
    col_spec = pl.BlockSpec((R, 1), lambda i: (i, 0))
    full = lambda shp: pl.BlockSpec(shp, lambda i: tuple(0 for _ in shp))

    outs = pl.pallas_call(
        _tc_body,
        grid=(NB,),
        in_specs=[
            row_spec, col_spec, col_spec,
            row_spec, col_spec, col_spec,
            row_spec, col_spec, col_spec, col_spec,
            pl.BlockSpec((BB, 70), lambda i: (i, 0)),
            pl.BlockSpec((BB, 2, 768), lambda i: (i, 0, 0)),
            full((70, D)), full((1, D)),
            full((768, D)), full((1, D)),
            full((1, D // 2)), full((1, D // 2)),
            full((D // 2, D)), full((1, D)),
            full((1, D)), full((1, D)),
            full((1, D)), full((1, D)),
            full((R, D)),
        ],
        out_specs=[
            pl.BlockSpec((BB, D), lambda i: (i, 0)),
            row_spec, row_spec, row_spec,
            pl.BlockSpec((BB, D), lambda i: (i, 0)),
        ],
        out_shape=[
            jax.ShapeDtypeStruct((B, D), jnp.float32),
            jax.ShapeDtypeStruct((BS, D), jnp.float32),
            jax.ShapeDtypeStruct((BS, D), jnp.float32),
            jax.ShapeDtypeStruct((BS, D), jnp.float32),
            jax.ShapeDtypeStruct((B, D), jnp.float32),
        ],
        compiler_params=pltpu.CompilerParams(
            dimension_semantics=("parallel",)),
    )(g_dx, col(dx_times), col(dx_mask),
      g_rx, col(rx_times), col(rx_mask),
      g_lab, col(lab_times), col(lab_mask), col(lab_values),
      demographic, ds_embeddings,
      demo_W, demo_b.reshape(1, D), ds_W, ds_b.reshape(1, D),
      vp_W1, vp_b1.reshape(1, D // 2), vp_W2, vp_b2.reshape(1, D),
      ln_g.reshape(1, D), ln_b.reshape(1, D), div_full, phase, pos_tile)

    demo_emb, dx_e, rx_e, lab_e, cls = outs
    return (demo_emb,
            dx_e.reshape(B, S, D),
            rx_e.reshape(B, S, D),
            lab_e.reshape(B, S, D),
            cls)

# --- scband reference (transcript-rebuilt; emitter-appended) ---
"""Pipeline reference for scband-ehrembeddings-83099027243505 (READ-ONLY COPY).

The authoritative reference and input builder live on the scoring server;
editing this copy changes nothing except your own understanding.
"""

import jax, jax.numpy as jnp
import numpy as np

D = 512

def _sinusoid(t, d):
    half = d // 2
    i = jnp.arange(half, dtype=jnp.float32)
    div = jnp.exp(-(jnp.log(10000.0)) * (2.0 * i) / d)
    ang = t[..., None] * div
    pe = jnp.zeros(t.shape + (d,), dtype=jnp.float32)
    pe = pe.at[..., 0::2].set(jnp.sin(ang))
    pe = pe.at[..., 1::2].set(jnp.cos(ang))
    return pe

def _layer_norm(x, g, b, eps=1e-5):
    mu = jnp.mean(x, axis=-1, keepdims=True)
    var = jnp.var(x, axis=-1, keepdims=True)
    return (x - mu) / jnp.sqrt(var + eps) * g + b

def setup_inputs(seed: int = 0):
    key = jax.random.key(seed)
    ks = jax.random.split(key, 24)
    B, S = 1024, 50
    demographic = jax.random.normal(ks[0], (B, 70), dtype=jnp.float32)
    dx_codes = jax.random.randint(ks[1], (B, S), 0, 20000)
    dx_times = jax.random.uniform(ks[2], (B, S), dtype=jnp.float32)
    dx_mask = jnp.ones((B, S), dtype=jnp.float32)
    rx_codes = jax.random.randint(ks[3], (B, S), 0, 8000)
    rx_times = jax.random.uniform(ks[4], (B, S), dtype=jnp.float32)
    rx_mask = jnp.ones((B, S), dtype=jnp.float32)
    lab_codes = jax.random.randint(ks[5], (B, S), 0, 100000)
    lab_times = jax.random.uniform(ks[6], (B, S), dtype=jnp.float32)
    lab_values = jax.random.normal(ks[7], (B, S), dtype=jnp.float32)
    lab_mask = jnp.ones((B, S), dtype=jnp.float32)
    ds_embeddings = jax.random.normal(ks[8], (B, 2, 768), dtype=jnp.float32)
    demo_W = jax.random.normal(ks[9], (70, D), dtype=jnp.float32) * 0.02
    demo_b = jnp.zeros((D,), dtype=jnp.float32)
    dx_table = (jax.random.normal(ks[10], (20000, D), dtype=jnp.float32) * 0.02).at[0].set(0.0)
    rx_table = (jax.random.normal(ks[11], (8000, D), dtype=jnp.float32) * 0.02).at[0].set(0.0)
    lab_table = (jax.random.normal(ks[12], (100000, D), dtype=jnp.float32) * 0.02).at[0].set(0.0)
    ds_W = jax.random.normal(ks[13], (768, D), dtype=jnp.float32) * 0.02
    ds_b = jnp.zeros((D,), dtype=jnp.float32)
    vp_W1 = jax.random.normal(ks[14], (1, D // 2), dtype=jnp.float32) * 0.02
    vp_b1 = jnp.zeros((D // 2,), dtype=jnp.float32)
    vp_W2 = jax.random.normal(ks[15], (D // 2, D), dtype=jnp.float32) * 0.02
    vp_b2 = jnp.zeros((D,), dtype=jnp.float32)
    ln_g = jnp.ones((D,), dtype=jnp.float32)
    ln_b = jnp.zeros((D,), dtype=jnp.float32)
    return {"demographic": demographic, "dx_codes": dx_codes, "dx_times": dx_times, "dx_mask": dx_mask,
            "rx_codes": rx_codes, "rx_times": rx_times, "rx_mask": rx_mask,
            "lab_codes": lab_codes, "lab_times": lab_times, "lab_values": lab_values, "lab_mask": lab_mask,
            "ds_embeddings": ds_embeddings,
            "demo_W": demo_W, "demo_b": demo_b, "dx_table": dx_table, "rx_table": rx_table,
            "lab_table": lab_table, "ds_W": ds_W, "ds_b": ds_b,
            "vp_W1": vp_W1, "vp_b1": vp_b1, "vp_W2": vp_W2, "vp_b2": vp_b2,
            "ln_g": ln_g, "ln_b": ln_b}

def reference(demographic, dx_codes, dx_times, dx_mask, rx_codes, rx_times, rx_mask,
              lab_codes, lab_times, lab_values, lab_mask, ds_embeddings,
              demo_W, demo_b, dx_table, rx_table, lab_table, ds_W, ds_b,
              vp_W1, vp_b1, vp_W2, vp_b2, ln_g, ln_b):
    B, S = dx_codes.shape
    pos = _sinusoid(jnp.arange(S, dtype=jnp.float32), D)[None, :, :]
    # demographic encoder
    demo_emb = demographic @ demo_W + demo_b
    # forward_code_embeddings for dx / rx
    def code_emb(codes, times, table, mask):
        e = jnp.take(table, codes, axis=0) + _sinusoid(times, D) + pos
        e = _layer_norm(e, ln_g, ln_b)
        return e * mask[..., None]
    dx_emb = code_emb(dx_codes, dx_times, dx_table, dx_mask)
    rx_emb = code_emb(rx_codes, rx_times, rx_table, rx_mask)
    # forward_lab_embeddings (code + value MLP + time + pos)
    v = lab_values[..., None]
    h = jax.nn.relu(v @ vp_W1 + vp_b1)
    val_emb = h @ vp_W2 + vp_b2
    lab_emb = jnp.take(lab_table, lab_codes, axis=0) + val_emb + _sinusoid(lab_times, D) + pos
    lab_emb = _layer_norm(lab_emb, ln_g, ln_b) * lab_mask[..., None]
    # forward_cls_embeddings for discharge summary
    cls = jnp.mean(ds_embeddings, axis=1) @ ds_W + ds_b
    cls = _layer_norm(cls, ln_g, ln_b)
    return (demo_emb, dx_emb, rx_emb, lab_emb, cls)

if __name__ == "__main__":
    import jax
    _d = setup_inputs()
    print(jax.jit(kernel)(*tuple(_d.values())))

</pallas_src>

<mosaic_0001>
#map = affine_map<(d0, d1) -> (0, 0)>
#map1 = affine_map<(d0, d1) -> (0)>
module attributes {stable_mosaic.version = 14 : i64} {
  func.func @gather3(%arg0: i32, %arg1: i32, %arg2: memref<20000x512xf32, #tpu.memory_space<hbm>>, %arg3: memref<8000x512xf32, #tpu.memory_space<hbm>>, %arg4: memref<100000x512xf32, #tpu.memory_space<hbm>>, %arg5: memref<51200xi32, #tpu.memory_space<hbm>>, %arg6: memref<51200xi32, #tpu.memory_space<hbm>>, %arg7: memref<51200xi32, #tpu.memory_space<hbm>>, %arg8: memref<51200x512xf32, #tpu.memory_space<hbm>>, %arg9: memref<51200x512xf32, #tpu.memory_space<hbm>>, %arg10: memref<51200x512xf32, #tpu.memory_space<hbm>>, %arg11: memref<1600xi32, #tpu.memory_space<vmem>>, %arg12: memref<200x512xf32, #tpu.memory_space<vmem>>, %arg13: memref<!tpu.dma_semaphore, #tpu.memory_space<semaphore_mem>>) attributes {dimension_semantics = [#tpu.dimension_semantics<core_parallel>, #tpu.dimension_semantics<subcore_parallel>], iteration_bounds = array<i64: 2, 16>, scalar_prefetch = 0 : i64, scratch_operands = 3 : i64, tpu.core_type = #tpu.core_type<sc_vector_subcore>, window_params = [{transform_indices = #map}, {transform_indices = #map}, {transform_indices = #map}, {transform_indices = #map1}, {transform_indices = #map1}, {transform_indices = #map1}, {transform_indices = #map}, {transform_indices = #map}, {transform_indices = #map}]} {
    %mul3A = arith.constant 2 : i32
    %mul3A_0 = arith.muli %arg1, %mul3A : i32
    %add3A = arith.addi %mul3A_0, %arg0 : i32
    %mul3A_1 = arith.constant 1600 : i32
    %mul3A_2 = arith.muli %add3A, %mul3A_1 : i32
    "tpu.region"() ({
      %run_scoped3A = tpu.sem_alloc : memref<!tpu.dma_semaphore, #tpu.memory_space<semaphore_mem>>
      %dma_start3A = tpu.memref_slice %arg5[%mul3A_2] : memref<51200xi32, #tpu.memory_space<hbm>> -> memref<1600xi32, #tpu.memory_space<hbm>>
      %dma_start3A_20 = tpu.memref_slice %arg5[%mul3A_2] : memref<51200xi32, #tpu.memory_space<hbm>> -> memref<1600xi32, #tpu.memory_space<hbm>>
      tpu.enqueue_dma source(%dma_start3A_20 : memref<1600xi32, #tpu.memory_space<hbm>>) target(%arg11 : memref<1600xi32, #tpu.memory_space<vmem>>) target_semaphore(%run_scoped3A : memref<!tpu.dma_semaphore, #tpu.memory_space<semaphore_mem>>)
      %dma_wait3A = tpu.memref_slice %arg5[%mul3A_2] : memref<51200xi32, #tpu.memory_space<hbm>> -> memref<1600xi32, #tpu.memory_space<hbm>>
      %dma_wait3A_21 = tpu.memref_slice %arg5[%mul3A_2] : memref<51200xi32, #tpu.memory_space<hbm>> -> memref<1600xi32, #tpu.memory_space<hbm>>
      tpu.wait_dma2 semaphore(%run_scoped3A : memref<!tpu.dma_semaphore, #tpu.memory_space<semaphore_mem>>) src(%dma_wait3A_21 : memref<1600xi32, #tpu.memory_space<hbm>>) dst(%arg11 : memref<1600xi32, #tpu.memory_space<vmem>>)
      tpu.yield
    }) : () -> ()
    %scan3A = arith.constant 0 : i32
    %scan3A_3 = arith.constant 0 : i32
    %scan3A_4 = arith.constant 8 : i32
    %scan3A_5 = arith.addi %scan3A_3, %scan3A_4 : i32
    %scan3A_6 = arith.constant 1 : i32
    scf.for %scan3A_20 = %scan3A_3 to %scan3A_5 step %scan3A_6  : i32 {
      %mul3A_21 = arith.constant 200 : i32
      %mul3A_22 = arith.muli %scan3A_20, %mul3A_21 : i32
      %dma_start3A = tpu.memref_slice %arg11[%mul3A_22] : memref<1600xi32, #tpu.memory_space<vmem>> -> memref<200xi32, #tpu.memory_space<vmem>>
      %dma_start3A_23 = arith.constant 0 : i32
      %dma_start3A_24 = arith.constant 0 : i32
      %dma_start3A_25 = tpu.memref_slice %arg2[%dma_start3A_23, %dma_start3A_24] : memref<20000x512xf32, #tpu.memory_space<hbm>> -> memref<20000x512xf32, #tpu.memory_space<hbm>>
      tpu.enqueue_indirect_dma source(%dma_start3A_25 : memref<20000x512xf32, #tpu.memory_space<hbm>>) target(%arg12 : memref<200x512xf32, #tpu.memory_space<vmem>>) offsets(%dma_start3A : memref<200xi32, #tpu.memory_space<vmem>>) semaphore(%arg13 : memref<!tpu.dma_semaphore, #tpu.memory_space<semaphore_mem>>)
      %dma_wait3A = tpu.memref_slice %arg11[%mul3A_22] : memref<1600xi32, #tpu.memory_space<vmem>> -> memref<200xi32, #tpu.memory_space<vmem>>
      %dma_wait3A_26 = arith.constant 0 : i32
      %dma_wait3A_27 = arith.constant 0 : i32
      %dma_wait3A_28 = tpu.memref_slice %arg2[%dma_wait3A_26, %dma_wait3A_27] : memref<20000x512xf32, #tpu.memory_space<hbm>> -> memref<20000x512xf32, #tpu.memory_space<hbm>>
      tpu.wait_indirect_dma semaphore(%arg13 : memref<!tpu.dma_semaphore, #tpu.memory_space<semaphore_mem>>) src(%dma_wait3A_28 : memref<20000x512xf32, #tpu.memory_space<hbm>>) dst(%arg12 : memref<200x512xf32, #tpu.memory_space<vmem>>)
      %add3A_29 = arith.addi %mul3A_2, %mul3A_22 : i32
      "tpu.region"() ({
        %run_scoped3A = tpu.sem_alloc : memref<!tpu.dma_semaphore, #tpu.memory_space<semaphore_mem>>
        %dma_start3A_30 = arith.constant 0 : i32
        %dma_start3A_31 = tpu.memref_slice %arg8[%add3A_29, %dma_start3A_30] : memref<51200x512xf32, #tpu.memory_space<hbm>> -> memref<200x512xf32, #tpu.memory_space<hbm>>
        %dma_start3A_32 = arith.constant 0 : i32
        %dma_start3A_33 = tpu.memref_slice %arg8[%add3A_29, %dma_start3A_32] : memref<51200x512xf32, #tpu.memory_space<hbm>> -> memref<200x512xf32, #tpu.memory_space<hbm>>
        tpu.enqueue_dma source(%arg12 : memref<200x512xf32, #tpu.memory_space<vmem>>) target(%dma_start3A_33 : memref<200x512xf32, #tpu.memory_space<hbm>>) target_semaphore(%run_scoped3A : memref<!tpu.dma_semaphore, #tpu.memory_space<semaphore_mem>>)
        %dma_wait3A_34 = arith.constant 0 : i32
        %dma_wait3A_35 = tpu.memref_slice %arg8[%add3A_29, %dma_wait3A_34] : memref<51200x512xf32, #tpu.memory_space<hbm>> -> memref<200x512xf32, #tpu.memory_space<hbm>>
        %dma_wait3A_36 = arith.constant 0 : i32
        %dma_wait3A_37 = tpu.memref_slice %arg8[%add3A_29, %dma_wait3A_36] : memref<51200x512xf32, #tpu.memory_space<hbm>> -> memref<200x512xf32, #tpu.memory_space<hbm>>
        tpu.wait_dma2 semaphore(%run_scoped3A : memref<!tpu.dma_semaphore, #tpu.memory_space<semaphore_mem>>) src(%arg12 : memref<200x512xf32, #tpu.memory_space<vmem>>) dst(%dma_wait3A_37 : memref<200x512xf32, #tpu.memory_space<hbm>>)
        tpu.yield
      }) : () -> ()
    }
    %scan3A_7 = arith.constant 8 : i32
    "tpu.region"() ({
      %run_scoped3A = tpu.sem_alloc : memref<!tpu.dma_semaphore, #tpu.memory_space<semaphore_mem>>
      %dma_start3A = tpu.memref_slice %arg6[%mul3A_2] : memref<51200xi32, #tpu.memory_space<hbm>> -> memref<1600xi32, #tpu.memory_space<hbm>>
      %dma_start3A_20 = tpu.memref_slice %arg6[%mul3A_2] : memref<51200xi32, #tpu.memory_space<hbm>> -> memref<1600xi32, #tpu.memory_space<hbm>>
      tpu.enqueue_dma source(%dma_start3A_20 : memref<1600xi32, #tpu.memory_space<hbm>>) target(%arg11 : memref<1600xi32, #tpu.memory_space<vmem>>) target_semaphore(%run_scoped3A : memref<!tpu.dma_semaphore, #tpu.memory_space<semaphore_mem>>)
      %dma_wait3A = tpu.memref_slice %arg6[%mul3A_2] : memref<51200xi32, #tpu.memory_space<hbm>> -> memref<1600xi32, #tpu.memory_space<hbm>>
      %dma_wait3A_21 = tpu.memref_slice %arg6[%mul3A_2] : memref<51200xi32, #tpu.memory_space<hbm>> -> memref<1600xi32, #tpu.memory_space<hbm>>
      tpu.wait_dma2 semaphore(%run_scoped3A : memref<!tpu.dma_semaphore, #tpu.memory_space<semaphore_mem>>) src(%dma_wait3A_21 : memref<1600xi32, #tpu.memory_space<hbm>>) dst(%arg11 : memref<1600xi32, #tpu.memory_space<vmem>>)
      tpu.yield
    }) : () -> ()
    %scan3A_8 = arith.constant 0 : i32
    %scan3A_9 = arith.constant 0 : i32
    %scan3A_10 = arith.constant 8 : i32
    %scan3A_11 = arith.addi %scan3A_9, %scan3A_10 : i32
    %scan3A_12 = arith.constant 1 : i32
    scf.for %scan3A_20 = %scan3A_9 to %scan3A_11 step %scan3A_12  : i32 {
      %mul3A_21 = arith.constant 200 : i32
      %mul3A_22 = arith.muli %scan3A_20, %mul3A_21 : i32
      %dma_start3A = tpu.memref_slice %arg11[%mul3A_22] : memref<1600xi32, #tpu.memory_space<vmem>> -> memref<200xi32, #tpu.memory_space<vmem>>
      %dma_start3A_23 = arith.constant 0 : i32
      %dma_start3A_24 = arith.constant 0 : i32
      %dma_start3A_25 = tpu.memref_slice %arg3[%dma_start3A_23, %dma_start3A_24] : memref<8000x512xf32, #tpu.memory_space<hbm>> -> memref<8000x512xf32, #tpu.memory_space<hbm>>
      tpu.enqueue_indirect_dma source(%dma_start3A_25 : memref<8000x512xf32, #tpu.memory_space<hbm>>) target(%arg12 : memref<200x512xf32, #tpu.memory_space<vmem>>) offsets(%dma_start3A : memref<200xi32, #tpu.memory_space<vmem>>) semaphore(%arg13 : memref<!tpu.dma_semaphore, #tpu.memory_space<semaphore_mem>>)
      %dma_wait3A = tpu.memref_slice %arg11[%mul3A_22] : memref<1600xi32, #tpu.memory_space<vmem>> -> memref<200xi32, #tpu.memory_space<vmem>>
      %dma_wait3A_26 = arith.constant 0 : i32
      %dma_wait3A_27 = arith.constant 0 : i32
      %dma_wait3A_28 = tpu.memref_slice %arg3[%dma_wait3A_26, %dma_wait3A_27] : memref<8000x512xf32, #tpu.memory_space<hbm>> -> memref<8000x512xf32, #tpu.memory_space<hbm>>
      tpu.wait_indirect_dma semaphore(%arg13 : memref<!tpu.dma_semaphore, #tpu.memory_space<semaphore_mem>>) src(%dma_wait3A_28 : memref<8000x512xf32, #tpu.memory_space<hbm>>) dst(%arg12 : memref<200x512xf32, #tpu.memory_space<vmem>>)
      %add3A_29 = arith.addi %mul3A_2, %mul3A_22 : i32
      "tpu.region"() ({
        %run_scoped3A = tpu.sem_alloc : memref<!tpu.dma_semaphore, #tpu.memory_space<semaphore_mem>>
        %dma_start3A_30 = arith.constant 0 : i32
        %dma_start3A_31 = tpu.memref_slice %arg9[%add3A_29, %dma_start3A_30] : memref<51200x512xf32, #tpu.memory_space<hbm>> -> memref<200x512xf32, #tpu.memory_space<hbm>>
        %dma_start3A_32 = arith.constant 0 : i32
        %dma_start3A_33 = tpu.memref_slice %arg9[%add3A_29, %dma_start3A_32] : memref<51200x512xf32, #tpu.memory_space<hbm>> -> memref<200x512xf32, #tpu.memory_space<hbm>>
        tpu.enqueue_dma source(%arg12 : memref<200x512xf32, #tpu.memory_space<vmem>>) target(%dma_start3A_33 : memref<200x512xf32, #tpu.memory_space<hbm>>) target_semaphore(%run_scoped3A : memref<!tpu.dma_semaphore, #tpu.memory_space<semaphore_mem>>)
        %dma_wait3A_34 = arith.constant 0 : i32
        %dma_wait3A_35 = tpu.memref_slice %arg9[%add3A_29, %dma_wait3A_34] : memref<51200x512xf32, #tpu.memory_space<hbm>> -> memref<200x512xf32, #tpu.memory_space<hbm>>
        %dma_wait3A_36 = arith.constant 0 : i32
        %dma_wait3A_37 = tpu.memref_slice %arg9[%add3A_29, %dma_wait3A_36] : memref<51200x512xf32, #tpu.memory_space<hbm>> -> memref<200x512xf32, #tpu.memory_space<hbm>>
        tpu.wait_dma2 semaphore(%run_scoped3A : memref<!tpu.dma_semaphore, #tpu.memory_space<semaphore_mem>>) src(%arg12 : memref<200x512xf32, #tpu.memory_space<vmem>>) dst(%dma_wait3A_37 : memref<200x512xf32, #tpu.memory_space<hbm>>)
        tpu.yield
      }) : () -> ()
    }
    %scan3A_13 = arith.constant 8 : i32
    "tpu.region"() ({
      %run_scoped3A = tpu.sem_alloc : memref<!tpu.dma_semaphore, #tpu.memory_space<semaphore_mem>>
      %dma_start3A = tpu.memref_slice %arg7[%mul3A_2] : memref<51200xi32, #tpu.memory_space<hbm>> -> memref<1600xi32, #tpu.memory_space<hbm>>
      %dma_start3A_20 = tpu.memref_slice %arg7[%mul3A_2] : memref<51200xi32, #tpu.memory_space<hbm>> -> memref<1600xi32, #tpu.memory_space<hbm>>
      tpu.enqueue_dma source(%dma_start3A_20 : memref<1600xi32, #tpu.memory_space<hbm>>) target(%arg11 : memref<1600xi32, #tpu.memory_space<vmem>>) target_semaphore(%run_scoped3A : memref<!tpu.dma_semaphore, #tpu.memory_space<semaphore_mem>>)
      %dma_wait3A = tpu.memref_slice %arg7[%mul3A_2] : memref<51200xi32, #tpu.memory_space<hbm>> -> memref<1600xi32, #tpu.memory_space<hbm>>
      %dma_wait3A_21 = tpu.memref_slice %arg7[%mul3A_2] : memref<51200xi32, #tpu.memory_space<hbm>> -> memref<1600xi32, #tpu.memory_space<hbm>>
      tpu.wait_dma2 semaphore(%run_scoped3A : memref<!tpu.dma_semaphore, #tpu.memory_space<semaphore_mem>>) src(%dma_wait3A_21 : memref<1600xi32, #tpu.memory_space<hbm>>) dst(%arg11 : memref<1600xi32, #tpu.memory_space<vmem>>)
      tpu.yield
    }) : () -> ()
    %scan3A_14 = arith.constant 0 : i32
    %scan3A_15 = arith.constant 0 : i32
    %scan3A_16 = arith.constant 8 : i32
    %scan3A_17 = arith.addi %scan3A_15, %scan3A_16 : i32
    %scan3A_18 = arith.constant 1 : i32
    scf.for %scan3A_20 = %scan3A_15 to %scan3A_17 step %scan3A_18  : i32 {
      %mul3A_21 = arith.constant 200 : i32
      %mul3A_22 = arith.muli %scan3A_20, %mul3A_21 : i32
      %dma_start3A = tpu.memref_slice %arg11[%mul3A_22] : memref<1600xi32, #tpu.memory_space<vmem>> -> memref<200xi32, #tpu.memory_space<vmem>>
      %dma_start3A_23 = arith.constant 0 : i32
      %dma_start3A_24 = arith.constant 0 : i32
      %dma_start3A_25 = tpu.memref_slice %arg4[%dma_start3A_23, %dma_start3A_24] : memref<100000x512xf32, #tpu.memory_space<hbm>> -> memref<100000x512xf32, #tpu.memory_space<hbm>>
      tpu.enqueue_indirect_dma source(%dma_start3A_25 : memref<100000x512xf32, #tpu.memory_space<hbm>>) target(%arg12 : memref<200x512xf32, #tpu.memory_space<vmem>>) offsets(%dma_start3A : memref<200xi32, #tpu.memory_space<vmem>>) semaphore(%arg13 : memref<!tpu.dma_semaphore, #tpu.memory_space<semaphore_mem>>)
      %dma_wait3A = tpu.memref_slice %arg11[%mul3A_22] : memref<1600xi32, #tpu.memory_space<vmem>> -> memref<200xi32, #tpu.memory_space<vmem>>
      %dma_wait3A_26 = arith.constant 0 : i32
      %dma_wait3A_27 = arith.constant 0 : i32
      %dma_wait3A_28 = tpu.memref_slice %arg4[%dma_wait3A_26, %dma_wait3A_27] : memref<100000x512xf32, #tpu.memory_space<hbm>> -> memref<100000x512xf32, #tpu.memory_space<hbm>>
      tpu.wait_indirect_dma semaphore(%arg13 : memref<!tpu.dma_semaphore, #tpu.memory_space<semaphore_mem>>) src(%dma_wait3A_28 : memref<100000x512xf32, #tpu.memory_space<hbm>>) dst(%arg12 : memref<200x512xf32, #tpu.memory_space<vmem>>)
      %add3A_29 = arith.addi %mul3A_2, %mul3A_22 : i32
      "tpu.region"() ({
        %run_scoped3A = tpu.sem_alloc : memref<!tpu.dma_semaphore, #tpu.memory_space<semaphore_mem>>
        %dma_start3A_30 = arith.constant 0 : i32
        %dma_start3A_31 = tpu.memref_slice %arg10[%add3A_29, %dma_start3A_30] : memref<51200x512xf32, #tpu.memory_space<hbm>> -> memref<200x512xf32, #tpu.memory_space<hbm>>
        %dma_start3A_32 = arith.constant 0 : i32
        %dma_start3A_33 = tpu.memref_slice %arg10[%add3A_29, %dma_start3A_32] : memref<51200x512xf32, #tpu.memory_space<hbm>> -> memref<200x512xf32, #tpu.memory_space<hbm>>
        tpu.enqueue_dma source(%arg12 : memref<200x512xf32, #tpu.memory_space<vmem>>) target(%dma_start3A_33 : memref<200x512xf32, #tpu.memory_space<hbm>>) target_semaphore(%run_scoped3A : memref<!tpu.dma_semaphore, #tpu.memory_space<semaphore_mem>>)
        %dma_wait3A_34 = arith.constant 0 : i32
        %dma_wait3A_35 = tpu.memref_slice %arg10[%add3A_29, %dma_wait3A_34] : memref<51200x512xf32, #tpu.memory_space<hbm>> -> memref<200x512xf32, #tpu.memory_space<hbm>>
        %dma_wait3A_36 = arith.constant 0 : i32
        %dma_wait3A_37 = tpu.memref_slice %arg10[%add3A_29, %dma_wait3A_36] : memref<51200x512xf32, #tpu.memory_space<hbm>> -> memref<200x512xf32, #tpu.memory_space<hbm>>
        tpu.wait_dma2 semaphore(%run_scoped3A : memref<!tpu.dma_semaphore, #tpu.memory_space<semaphore_mem>>) src(%arg12 : memref<200x512xf32, #tpu.memory_space<vmem>>) dst(%dma_wait3A_37 : memref<200x512xf32, #tpu.memory_space<hbm>>)
        tpu.yield
      }) : () -> ()
    }
    %scan3A_19 = arith.constant 8 : i32
    return
  }
}

module attributes {stable_mosaic.version = 14 : i64} {
  func.func @_tc_body(%arg0: i32, %arg1: memref<400x512xf32, #tpu.memory_space<vmem>>, %arg2: memref<400x1xf32, #tpu.memory_space<vmem>>, %arg3: memref<400x1xf32, #tpu.memory_space<vmem>>, %arg4: memref<400x512xf32, #tpu.memory_space<vmem>>, %arg5: memref<400x1xf32, #tpu.memory_space<vmem>>, %arg6: memref<400x1xf32, #tpu.memory_space<vmem>>, %arg7: memref<400x512xf32, #tpu.memory_space<vmem>>, %arg8: memref<400x1xf32, #tpu.memory_space<vmem>>, %arg9: memref<400x1xf32, #tpu.memory_space<vmem>>, %arg10: memref<400x1xf32, #tpu.memory_space<vmem>>, %arg11: memref<8x70xf32, #tpu.memory_space<vmem>>, %arg12: memref<8x2x768xf32, #tpu.memory_space<vmem>>, %arg13: memref<70x512xf32, #tpu.memory_space<vmem>>, %arg14: memref<1x512xf32, #tpu.memory_space<vmem>>, %arg15: memref<768x512xf32, #tpu.memory_space<vmem>>, %arg16: memref<1x512xf32, #tpu.memory_space<vmem>>, %arg17: memref<1x256xf32, #tpu.memory_space<vmem>>, %arg18: memref<1x256xf32, #tpu.memory_space<vmem>>, %arg19: memref<256x512xf32, #tpu.memory_space<vmem>>, %arg20: memref<1x512xf32, #tpu.memory_space<vmem>>, %arg21: memref<1x512xf32, #tpu.memory_space<vmem>>, %arg22: memref<1x512xf32, #tpu.memory_space<vmem>>, %arg23: memref<1x512xf32, #tpu.memory_space<vmem>>, %arg24: memref<1x512xf32, #tpu.memory_space<vmem>>, %arg25: memref<400x512xf32, #tpu.memory_space<vmem>>, %arg26: memref<8x512xf32, #tpu.memory_space<vmem>>, %arg27: memref<400x512xf32, #tpu.memory_space<vmem>>, %arg28: memref<400x512xf32, #tpu.memory_space<vmem>>, %arg29: memref<400x512xf32, #tpu.memory_space<vmem>>, %arg30: memref<8x512xf32, #tpu.memory_space<vmem>>) attributes {dimension_semantics = [#tpu.dimension_semantics<parallel>], iteration_bounds = array<i64: 128>, scalar_prefetch = 0 : i64, scratch_operands = 0 : i64, tpu.core_type = #tpu.core_type<tc>, window_params = [{transform_indices = @transform_0, window_bounds = array<i64: 400, 512>}, {transform_indices = @transform_1, window_bounds = array<i64: 400, 1>}, {transform_indices = @transform_2, window_bounds = array<i64: 400, 1>}, {transform_indices = @transform_3, window_bounds = array<i64: 400, 512>}, {transform_indices = @transform_4, window_bounds = array<i64: 400, 1>}, {transform_indices = @transform_5, window_bounds = array<i64: 400, 1>}, {transform_indices = @transform_6, window_bounds = array<i64: 400, 512>}, {transform_indices = @transform_7, window_bounds = array<i64: 400, 1>}, {transform_indices = @transform_8, window_bounds = array<i64: 400, 1>}, {transform_indices = @transform_9, window_bounds = array<i64: 400, 1>}, {transform_indices = @transform_10, window_bounds = array<i64: 8, 70>}, {transform_indices = @transform_11, window_bounds = array<i64: 8, 2, 768>}, {pipeline_mode = #tpu.pipeline_mode<synchronous>, transform_indices = @transform_12, window_bounds = array<i64: 70, 512>}, {pipeline_mode = #tpu.pipeline_mode<synchronous>, transform_indices = @transform_13, window_bounds = array<i64: 1, 512>}, {pipeline_mode = #tpu.pipeline_mode<synchronous>, transform_indices = @transform_14, window_bounds = array<i64: 768, 512>}, {pipeline_mode = #tpu.pipeline_mode<synchronous>, transform_indices = @transform_15, window_bounds = array<i64: 1, 512>}, {pipeline_mode = #tpu.pipeline_mode<synchronous>, transform_indices = @transform_16, window_bounds = array<i64: 1, 256>}, {pipeline_mode = #tpu.pipeline_mode<synchronous>, transform_indices = @transform_17, window_bounds = array<i64: 1, 256>}, {pipeline_mode = #tpu.pipeline_mode<synchronous>, transform_indices = @transform_18, window_bounds = array<i64: 256, 512>}, {pipeline_mode = #tpu.pipeline_mode<synchronous>, transform_indices = @transform_19, window_bounds = array<i64: 1, 512>}, {pipeline_mode = #tpu.pipeline_mode<synchronous>, transform_indices = @transform_20, window_bounds = array<i64: 1, 512>}, {pipeline_mode = #tpu.pipeline_mode<synchronous>, transform_indices = @transform_21, window_bounds = array<i64: 1, 512>}, {pipeline_mode = #tpu.pipeline_mode<synchronous>, transform_indices = @transform_22, window_bounds = array<i64: 1, 512>}, {pipeline_mode = #tpu.pipeline_mode<synchronous>, transform_indices = @transform_23, window_bounds = array<i64: 1, 512>}, {pipeline_mode = #tpu.pipeline_mode<synchronous>, transform_indices = @transform_24, window_bounds = array<i64: 400, 512>}, {transform_indices = @transform_25, window_bounds = array<i64: 8, 512>}, {transform_indices = @transform_26, window_bounds = array<i64: 400, 512>}, {transform_indices = @transform_27, window_bounds = array<i64: 400, 512>}, {transform_indices = @transform_28, window_bounds = array<i64: 400, 512>}, {transform_indices = @transform_29, window_bounds = array<i64: 8, 512>}]} {
    %get3A = arith.constant 0 : index
    %get3A_0 = arith.constant 0 : index
    %get3A_1 = vector.load %arg21[%get3A, %get3A_0] : memref<1x512xf32, #tpu.memory_space<vmem>>, vector<1x512xf32>
    %get3A_2 = arith.constant 0 : index
    %get3A_3 = arith.constant 0 : index
    %get3A_4 = vector.load %arg22[%get3A_2, %get3A_3] : memref<1x512xf32, #tpu.memory_space<vmem>>, vector<1x512xf32>
    %get3A_5 = arith.constant 0 : index
    %get3A_6 = arith.constant 0 : index
    %get3A_7 = vector.load %arg23[%get3A_5, %get3A_6] : memref<1x512xf32, #tpu.memory_space<vmem>>, vector<1x512xf32>
    %get3A_8 = arith.constant 0 : index
    %get3A_9 = arith.constant 0 : index
    %get3A_10 = vector.load %arg24[%get3A_8, %get3A_9] : memref<1x512xf32, #tpu.memory_space<vmem>>, vector<1x512xf32>
    %get3A_11 = arith.constant 0 : index
    %get3A_12 = arith.constant 0 : index
    %get3A_13 = vector.load %arg25[%get3A_11, %get3A_12] : memref<400x512xf32, #tpu.memory_space<vmem>>, vector<400x512xf32>
    %get3A_14 = arith.constant 0 : index
    %get3A_15 = arith.constant 0 : index
    %get3A_16 = vector.load %arg1[%get3A_14, %get3A_15] : memref<400x512xf32, #tpu.memory_space<vmem>>, vector<400x512xf32>
    %get3A_17 = arith.constant 0 : index
    %get3A_18 = arith.constant 0 : index
    %get3A_19 = vector.load %arg2[%get3A_17, %get3A_18] : memref<400x1xf32, #tpu.memory_space<vmem>>, vector<400x1xf32>
    %get3A_20 = arith.constant 0 : index
    %get3A_21 = arith.constant 0 : index
    %get3A_22 = vector.load %arg3[%get3A_20, %get3A_21] : memref<400x1xf32, #tpu.memory_space<vmem>>, vector<400x1xf32>
    %mul3A = vector.broadcast %get3A_19 : vector<400x1xf32> to vector<400x512xf32>
    %mul3A_23 = vector.broadcast %get3A_7 : vector<1x512xf32> to vector<400x512xf32>
    %mul3A_24 = arith.mulf %mul3A, %mul3A_23 : vector<400x512xf32>
    %add3A = vector.broadcast %get3A_10 : vector<1x512xf32> to vector<400x512xf32>
    %add3A_25 = arith.addf %mul3A_24, %add3A : vector<400x512xf32>
    %sin3A = math.sin %add3A_25 : vector<400x512xf32>
    %add3A_26 = arith.addf %get3A_16, %sin3A : vector<400x512xf32>
    %add3A_27 = arith.addf %add3A_26, %get3A_13 : vector<400x512xf32>
    %reduce_sum3A = arith.constant dense<0.000000e+00> : vector<400xf32>
    %reduce_sum3A_28 = vector.multi_reduction <add>, %add3A_27, %reduce_sum3A [1] : vector<400x512xf32> to vector<400xf32>
    %broadcast_in_dim3A = vector.shape_cast %reduce_sum3A_28 : vector<400xf32> to vector<400x1xf32>
    %div3A = arith.constant 5.120000e+02 : f32
    %div3A_29 = vector.broadcast %div3A : f32 to vector<400x1xf32>
    %div3A_30 = arith.divf %broadcast_in_dim3A, %div3A_29 : vector<400x1xf32>
    %sub3A = vector.broadcast %div3A_30 : vector<400x1xf32> to vector<400x512xf32>
    %sub3A_31 = arith.subf %add3A_27, %sub3A : vector<400x512xf32>
    %mul3A_32 = arith.mulf %sub3A_31, %sub3A_31 : vector<400x512xf32>
    %reduce_sum3A_33 = arith.constant dense<0.000000e+00> : vector<400xf32>
    %reduce_sum3A_34 = vector.multi_reduction <add>, %mul3A_32, %reduce_sum3A_33 [1] : vector<400x512xf32> to vector<400xf32>
    %broadcast_in_dim3A_35 = vector.shape_cast %reduce_sum3A_34 : vector<400xf32> to vector<400x1xf32>
    %div3A_36 = arith.constant 5.120000e+02 : f32
    %div3A_37 = vector.broadcast %div3A_36 : f32 to vector<400x1xf32>
    %div3A_38 = arith.divf %broadcast_in_dim3A_35, %div3A_37 : vector<400x1xf32>
    %add3A_39 = arith.constant 9.99999974E-6 : f32
    %add3A_40 = vector.broadcast %add3A_39 : f32 to vector<400x1xf32>
    %add3A_41 = arith.addf %div3A_38, %add3A_40 : vector<400x1xf32>
    %rsqrt3A = math.rsqrt %add3A_41 : vector<400x1xf32>
    %mul3A_42 = vector.broadcast %rsqrt3A : vector<400x1xf32> to vector<400x512xf32>
    %mul3A_43 = arith.mulf %sub3A_31, %mul3A_42 : vector<400x512xf32>
    %mul3A_44 = vector.broadcast %get3A_1 : vector<1x512xf32> to vector<400x512xf32>
    %mul3A_45 = arith.mulf %mul3A_43, %mul3A_44 : vector<400x512xf32>
    %add3A_46 = vector.broadcast %get3A_4 : vector<1x512xf32> to vector<400x512xf32>
    %add3A_47 = arith.addf %mul3A_45, %add3A_46 : vector<400x512xf32>
    %mul3A_48 = vector.broadcast %get3A_22 : vector<400x1xf32> to vector<400x512xf32>
    %mul3A_49 = arith.mulf %add3A_47, %mul3A_48 : vector<400x512xf32>
    %swap3A = arith.constant 0 : index
    %swap3A_50 = arith.constant 0 : index
    %swap3A_51 = vector.load %arg27[%swap3A, %swap3A_50] : memref<400x512xf32, #tpu.memory_space<vmem>>, vector<400x512xf32>
    tpu.vector_store %arg27[%swap3A, %swap3A_50], %mul3A_49 {strides = array<i32>} : memref<400x512xf32, #tpu.memory_space<vmem>>, vector<400x512xf32>,
    %get3A_52 = arith.constant 0 : index
    %get3A_53 = arith.constant 0 : index
    %get3A_54 = vector.load %arg4[%get3A_52, %get3A_53] : memref<400x512xf32, #tpu.memory_space<vmem>>, vector<400x512xf32>
    %get3A_55 = arith.constant 0 : index
    %get3A_56 = arith.constant 0 : index
    %get3A_57 = vector.load %arg5[%get3A_55, %get3A_56] : memref<400x1xf32, #tpu.memory_space<vmem>>, vector<400x1xf32>
    %get3A_58 = arith.constant 0 : index
    %get3A_59 = arith.constant 0 : index
    %get3A_60 = vector.load %arg6[%get3A_58, %get3A_59] : memref<400x1xf32, #tpu.memory_space<vmem>>, vector<400x1xf32>
    %mul3A_61 = vector.broadcast %get3A_57 : vector<400x1xf32> to vector<400x512xf32>
    %mul3A_62 = vector.broadcast %get3A_7 : vector<1x512xf32> to vector<400x512xf32>
    %mul3A_63 = arith.mulf %mul3A_61, %mul3A_62 : vector<400x512xf32>
    %add3A_64 = vector.broadcast %get3A_10 : vector<1x512xf32> to vector<400x512xf32>
    %add3A_65 = arith.addf %mul3A_63, %add3A_64 : vector<400x512xf32>
    %sin3A_66 = math.sin %add3A_65 : vector<400x512xf32>
    %add3A_67 = arith.addf %get3A_54, %sin3A_66 : vector<400x512xf32>
    %add3A_68 = arith.addf %add3A_67, %get3A_13 : vector<400x512xf32>
    %reduce_sum3A_69 = arith.constant dense<0.000000e+00> : vector<400xf32>
    %reduce_sum3A_70 = vector.multi_reduction <add>, %add3A_68, %reduce_sum3A_69 [1] : vector<400x512xf32> to vector<400xf32>
    %broadcast_in_dim3A_71 = vector.shape_cast %reduce_sum3A_70 : vector<400xf32> to vector<400x1xf32>
    %div3A_72 = arith.constant 5.120000e+02 : f32
    %div3A_73 = vector.broadcast %div3A_72 : f32 to vector<400x1xf32>
    %div3A_74 = arith.divf %broadcast_in_dim3A_71, %div3A_73 : vector<400x1xf32>
    %sub3A_75 = vector.broadcast %div3A_74 : vector<400x1xf32> to vector<400x512xf32>
    %sub3A_76 = arith.subf %add3A_68, %sub3A_75 : vector<400x512xf32>
    %mul3A_77 = arith.mulf %sub3A_76, %sub3A_76 : vector<400x512xf32>
    %reduce_sum3A_78 = arith.constant dense<0.000000e+00> : vector<400xf32>
    %reduce_sum3A_79 = vector.multi_reduction <add>, %mul3A_77, %reduce_sum3A_78 [1] : vector<400x512xf32> to vector<400xf32>
    %broadcast_in_dim3A_80 = vector.shape_cast %reduce_sum3A_79 : vector<400xf32> to vector<400x1xf32>
    %div3A_81 = arith.constant 5.120000e+02 : f32
    %div3A_82 = vector.broadcast %div3A_81 : f32 to vector<400x1xf32>
    %div3A_83 = arith.divf %broadcast_in_dim3A_80, %div3A_82 : vector<400x1xf32>
    %add3A_84 = arith.constant 9.99999974E-6 : f32
    %add3A_85 = vector.broadcast %add3A_84 : f32 to vector<400x1xf32>
    %add3A_86 = arith.addf %div3A_83, %add3A_85 : vector<400x1xf32>
    %rsqrt3A_87 = math.rsqrt %add3A_86 : vector<400x1xf32>
    %mul3A_88 = vector.broadcast %rsqrt3A_87 : vector<400x1xf32> to vector<400x512xf32>
    %mul3A_89 = arith.mulf %sub3A_76, %mul3A_88 : vector<400x512xf32>
    %mul3A_90 = vector.broadcast %get3A_1 : vector<1x512xf32> to vector<400x512xf32>
    %mul3A_91 = arith.mulf %mul3A_89, %mul3A_90 : vector<400x512xf32>
    %add3A_92 = vector.broadcast %get3A_4 : vector<1x512xf32> to vector<400x512xf32>
    %add3A_93 = arith.addf %mul3A_91, %add3A_92 : vector<400x512xf32>
    %mul3A_94 = vector.broadcast %get3A_60 : vector<400x1xf32> to vector<400x512xf32>
    %mul3A_95 = arith.mulf %add3A_93, %mul3A_94 : vector<400x512xf32>
    %swap3A_96 = arith.constant 0 : index
    %swap3A_97 = arith.constant 0 : index
    %swap3A_98 = vector.load %arg28[%swap3A_96, %swap3A_97] : memref<400x512xf32, #tpu.memory_space<vmem>>, vector<400x512xf32>
    tpu.vector_store %arg28[%swap3A_96, %swap3A_97], %mul3A_95 {strides = array<i32>} : memref<400x512xf32, #tpu.memory_space<vmem>>, vector<400x512xf32>,
    %get3A_99 = arith.constant 0 : index
    %get3A_100 = arith.constant 0 : index
    %get3A_101 = vector.load %arg10[%get3A_99, %get3A_100] : memref<400x1xf32, #tpu.memory_space<vmem>>, vector<400x1xf32>
    %get3A_102 = arith.constant 0 : index
    %get3A_103 = arith.constant 0 : index
    %get3A_104 = vector.load %arg17[%get3A_102, %get3A_103] : memref<1x256xf32, #tpu.memory_space<vmem>>, vector<1x256xf32>
    %mul3A_105 = vector.broadcast %get3A_101 : vector<400x1xf32> to vector<400x256xf32>
    %mul3A_106 = vector.broadcast %get3A_104 : vector<1x256xf32> to vector<400x256xf32>
    %mul3A_107 = arith.mulf %mul3A_105, %mul3A_106 : vector<400x256xf32>
    %get3A_108 = arith.constant 0 : index
    %get3A_109 = arith.constant 0 : index
    %get3A_110 = vector.load %arg18[%get3A_108, %get3A_109] : memref<1x256xf32, #tpu.memory_space<vmem>>, vector<1x256xf32>
    %add3A_111 = vector.broadcast %get3A_110 : vector<1x256xf32> to vector<400x256xf32>
    %add3A_112 = arith.addf %mul3A_107, %add3A_111 : vector<400x256xf32>
    %max3A = arith.constant 0.000000e+00 : f32
    %max3A_113 = vector.broadcast %max3A : f32 to vector<400x256xf32>
    %max3A_114 = arith.maximumf %add3A_112, %max3A_113 : vector<400x256xf32>
    %get3A_115 = arith.constant 0 : index
    %get3A_116 = arith.constant 0 : index
    %get3A_117 = vector.load %arg19[%get3A_115, %get3A_116] : memref<256x512xf32, #tpu.memory_space<vmem>>, vector<256x512xf32>
    %dot_general3A = arith.constant dense<0.000000e+00> : vector<400x512xf32>
    %dot_general3A_118 = tpu.matmul %max3A_114, %get3A_117, %dot_general3A {dimension_numbers = #tpu.dot_dimension_numbers<[1], [0], [0], [1], [0, 0, 1, 1], [], []>, transpose_lhs_hint = false} : vector<400x256xf32>, vector<256x512xf32>, vector<400x512xf32> -> vector<400x512xf32>
    %get3A_119 = arith.constant 0 : index
    %get3A_120 = arith.constant 0 : index
    %get3A_121 = vector.load %arg20[%get3A_119, %get3A_120] : memref<1x512xf32, #tpu.memory_space<vmem>>, vector<1x512xf32>
    %add3A_122 = vector.broadcast %get3A_121 : vector<1x512xf32> to vector<400x512xf32>
    %add3A_123 = arith.addf %dot_general3A_118, %add3A_122 : vector<400x512xf32>
    %get3A_124 = arith.constant 0 : index
    %get3A_125 = arith.constant 0 : index
    %get3A_126 = vector.load %arg7[%get3A_124, %get3A_125] : memref<400x512xf32, #tpu.memory_space<vmem>>, vector<400x512xf32>
    %get3A_127 = arith.constant 0 : index
    %get3A_128 = arith.constant 0 : index
    %get3A_129 = vector.load %arg8[%get3A_127, %get3A_128] : memref<400x1xf32, #tpu.memory_space<vmem>>, vector<400x1xf32>
    %get3A_130 = arith.constant 0 : index
    %get3A_131 = arith.constant 0 : index
    %get3A_132 = vector.load %arg9[%get3A_130, %get3A_131] : memref<400x1xf32, #tpu.memory_space<vmem>>, vector<400x1xf32>
    %mul3A_133 = vector.broadcast %get3A_129 : vector<400x1xf32> to vector<400x512xf32>
    %mul3A_134 = vector.broadcast %get3A_7 : vector<1x512xf32> to vector<400x512xf32>
    %mul3A_135 = arith.mulf %mul3A_133, %mul3A_134 : vector<400x512xf32>
    %add3A_136 = vector.broadcast %get3A_10 : vector<1x512xf32> to vector<400x512xf32>
    %add3A_137 = arith.addf %mul3A_135, %add3A_136 : vector<400x512xf32>
    %sin3A_138 = math.sin %add3A_137 : vector<400x512xf32>
    %add3A_139 = arith.addf %get3A_126, %sin3A_138 : vector<400x512xf32>
    %add3A_140 = arith.addf %add3A_139, %get3A_13 : vector<400x512xf32>
    %add3A_141 = arith.addf %add3A_140, %add3A_123 : vector<400x512xf32>
    %reduce_sum3A_142 = arith.constant dense<0.000000e+00> : vector<400xf32>
    %reduce_sum3A_143 = vector.multi_reduction <add>, %add3A_141, %reduce_sum3A_142 [1] : vector<400x512xf32> to vector<400xf32>
    %broadcast_in_dim3A_144 = vector.shape_cast %reduce_sum3A_143 : vector<400xf32> to vector<400x1xf32>
    %div3A_145 = arith.constant 5.120000e+02 : f32
    %div3A_146 = vector.broadcast %div3A_145 : f32 to vector<400x1xf32>
    %div3A_147 = arith.divf %broadcast_in_dim3A_144, %div3A_146 : vector<400x1xf32>
    %sub3A_148 = vector.broadcast %div3A_147 : vector<400x1xf32> to vector<400x512xf32>
    %sub3A_149 = arith.subf %add3A_141, %sub3A_148 : vector<400x512xf32>
    %mul3A_150 = arith.mulf %sub3A_149, %sub3A_149 : vector<400x512xf32>
    %reduce_sum3A_151 = arith.constant dense<0.000000e+00> : vector<400xf32>
    %reduce_sum3A_152 = vector.multi_reduction <add>, %mul3A_150, %reduce_sum3A_151 [1] : vector<400x512xf32> to vector<400xf32>
    %broadcast_in_dim3A_153 = vector.shape_cast %reduce_sum3A_152 : vector<400xf32> to vector<400x1xf32>
    %div3A_154 = arith.constant 5.120000e+02 : f32
    %div3A_155 = vector.broadcast %div3A_154 : f32 to vector<400x1xf32>
    %div3A_156 = arith.divf %broadcast_in_dim3A_153, %div3A_155 : vector<400x1xf32>
    %add3A_157 = arith.constant 9.99999974E-6 : f32
    %add3A_158 = vector.broadcast %add3A_157 : f32 to vector<400x1xf32>
    %add3A_159 = arith.addf %div3A_156, %add3A_158 : vector<400x1xf32>
    %rsqrt3A_160 = math.rsqrt %add3A_159 : vector<400x1xf32>
    %mul3A_161 = vector.broadcast %rsqrt3A_160 : vector<400x1xf32> to vector<400x512xf32>
    %mul3A_162 = arith.mulf %sub3A_149, %mul3A_161 : vector<400x512xf32>
    %mul3A_163 = vector.broadcast %get3A_1 : vector<1x512xf32> to vector<400x512xf32>
    %mul3A_164 = arith.mulf %mul3A_162, %mul3A_163 : vector<400x512xf32>
    %add3A_165 = vector.broadcast %get3A_4 : vector<1x512xf32> to vector<400x512xf32>
    %add3A_166 = arith.addf %mul3A_164, %add3A_165 : vector<400x512xf32>
    %mul3A_167 = vector.broadcast %get3A_132 : vector<400x1xf32> to vector<400x512xf32>
    %mul3A_168 = arith.mulf %add3A_166, %mul3A_167 : vector<400x512xf32>
    %swap3A_169 = arith.constant 0 : index
    %swap3A_170 = arith.constant 0 : index
    %swap3A_171 = vector.load %arg29[%swap3A_169, %swap3A_170] : memref<400x512xf32, #tpu.memory_space<vmem>>, vector<400x512xf32>
    tpu.vector_store %arg29[%swap3A_169, %swap3A_170], %mul3A_168 {strides = array<i32>} : memref<400x512xf32, #tpu.memory_space<vmem>>, vector<400x512xf32>,
    %get3A_172 = arith.constant 0 : index
    %get3A_173 = arith.constant 0 : index
    %get3A_174 = vector.load %arg11[%get3A_172, %get3A_173] : memref<8x70xf32, #tpu.memory_space<vmem>>, vector<8x70xf32>
    %get3A_175 = arith.constant 0 : index
    %get3A_176 = arith.constant 0 : index
    %get3A_177 = vector.load %arg13[%get3A_175, %get3A_176] : memref<70x512xf32, #tpu.memory_space<vmem>>, vector<70x512xf32>
    %dot_general3A_178 = arith.constant dense<0.000000e+00> : vector<8x512xf32>
    %dot_general3A_179 = tpu.matmul %get3A_174, %get3A_177, %dot_general3A_178 {dimension_numbers = #tpu.dot_dimension_numbers<[1], [0], [0], [1], [0, 0, 1, 1], [], []>, transpose_lhs_hint = false} : vector<8x70xf32>, vector<70x512xf32>, vector<8x512xf32> -> vector<8x512xf32>
    %get3A_180 = arith.constant 0 : index
    %get3A_181 = arith.constant 0 : index
    %get3A_182 = vector.load %arg14[%get3A_180, %get3A_181] : memref<1x512xf32, #tpu.memory_space<vmem>>, vector<1x512xf32>
    %add3A_183 = vector.broadcast %get3A_182 : vector<1x512xf32> to vector<8x512xf32>
    %add3A_184 = arith.addf %dot_general3A_179, %add3A_183 : vector<8x512xf32>
    %swap3A_185 = arith.constant 0 : index
    %swap3A_186 = arith.constant 0 : index
    %swap3A_187 = vector.load %arg26[%swap3A_185, %swap3A_186] : memref<8x512xf32, #tpu.memory_space<vmem>>, vector<8x512xf32>
    tpu.vector_store %arg26[%swap3A_185, %swap3A_186], %add3A_184 {strides = array<i32>} : memref<8x512xf32, #tpu.memory_space<vmem>>, vector<8x512xf32>,
    %get3A_188 = arith.constant 0 : index
    %get3A_189 = arith.constant 0 : index
    %get3A_190 = arith.constant 0 : index
    %get3A_191 = vector.load %arg12[%get3A_188, %get3A_189, %get3A_190] : memref<8x2x768xf32, #tpu.memory_space<vmem>>, vector<8x2x768xf32>
    %slice3A = vector.extract_strided_slice %get3A_191 {offsets = [0, 0, 0], sizes = [8, 1, 768], strides = [1, 1, 1]} : vector<8x2x768xf32> to vector<8x1x768xf32>
    %squeeze3A = vector.shape_cast %slice3A : vector<8x1x768xf32> to vector<8x768xf32>
    %slice3A_192 = vector.extract_strided_slice %get3A_191 {offsets = [0, 1, 0], sizes = [8, 1, 768], strides = [1, 1, 1]} : vector<8x2x768xf32> to vector<8x1x768xf32>
    %squeeze3A_193 = vector.shape_cast %slice3A_192 : vector<8x1x768xf32> to vector<8x768xf32>
    %add3A_194 = arith.addf %squeeze3A, %squeeze3A_193 : vector<8x768xf32>
    %mul3A_195 = arith.constant 5.000000e-01 : f32
    %mul3A_196 = vector.broadcast %mul3A_195 : f32 to vector<8x768xf32>
    %mul3A_197 = arith.mulf %add3A_194, %mul3A_196 : vector<8x768xf32>
    %get3A_198 = arith.constant 0 : index
    %get3A_199 = arith.constant 0 : index
    %get3A_200 = vector.load %arg15[%get3A_198, %get3A_199] : memref<768x512xf32, #tpu.memory_space<vmem>>, vector<768x512xf32>
    %dot_general3A_201 = arith.constant dense<0.000000e+00> : vector<8x512xf32>
    %dot_general3A_202 = tpu.matmul %mul3A_197, %get3A_200, %dot_general3A_201 {dimension_numbers = #tpu.dot_dimension_numbers<[1], [0], [0], [1], [0, 0, 1, 1], [], []>, transpose_lhs_hint = false} : vector<8x768xf32>, vector<768x512xf32>, vector<8x512xf32> -> vector<8x512xf32>
    %get3A_203 = arith.constant 0 : index
    %get3A_204 = arith.constant 0 : index
    %get3A_205 = vector.load %arg16[%get3A_203, %get3A_204] : memref<1x512xf32, #tpu.memory_space<vmem>>, vector<1x512xf32>
    %add3A_206 = vector.broadcast %get3A_205 : vector<1x512xf32> to vector<8x512xf32>
    %add3A_207 = arith.addf %dot_general3A_202, %add3A_206 : vector<8x512xf32>
    %reduce_sum3A_208 = arith.constant dense<0.000000e+00> : vector<8xf32>
    %reduce_sum3A_209 = vector.multi_reduction <add>, %add3A_207, %reduce_sum3A_208 [1] : vector<8x512xf32> to vector<8xf32>
    %broadcast_in_dim3A_210 = vector.shape_cast %reduce_sum3A_209 : vector<8xf32> to vector<8x1xf32>
    %div3A_211 = arith.constant 5.120000e+02 : f32
    %div3A_212 = vector.broadcast %div3A_211 : f32 to vector<8x1xf32>
    %div3A_213 = arith.divf %broadcast_in_dim3A_210, %div3A_212 : vector<8x1xf32>
    %sub3A_214 = vector.broadcast %div3A_213 : vector<8x1xf32> to vector<8x512xf32>
    %sub3A_215 = arith.subf %add3A_207, %sub3A_214 : vector<8x512xf32>
    %mul3A_216 = arith.mulf %sub3A_215, %sub3A_215 : vector<8x512xf32>
    %reduce_sum3A_217 = arith.constant dense<0.000000e+00> : vector<8xf32>
    %reduce_sum3A_218 = vector.multi_reduction <add>, %mul3A_216, %reduce_sum3A_217 [1] : vector<8x512xf32> to vector<8xf32>
    %broadcast_in_dim3A_219 = vector.shape_cast %reduce_sum3A_218 : vector<8xf32> to vector<8x1xf32>
    %div3A_220 = arith.constant 5.120000e+02 : f32
    %div3A_221 = vector.broadcast %div3A_220 : f32 to vector<8x1xf32>
    %div3A_222 = arith.divf %broadcast_in_dim3A_219, %div3A_221 : vector<8x1xf32>
    %add3A_223 = arith.constant 9.99999974E-6 : f32
    %add3A_224 = vector.broadcast %add3A_223 : f32 to vector<8x1xf32>
    %add3A_225 = arith.addf %div3A_222, %add3A_224 : vector<8x1xf32>
    %rsqrt3A_226 = math.rsqrt %add3A_225 : vector<8x1xf32>
    %mul3A_227 = vector.broadcast %rsqrt3A_226 : vector<8x1xf32> to vector<8x512xf32>
    %mul3A_228 = arith.mulf %sub3A_215, %mul3A_227 : vector<8x512xf32>
    %mul3A_229 = vector.broadcast %get3A_1 : vector<1x512xf32> to vector<8x512xf32>
    %mul3A_230 = arith.mulf %mul3A_228, %mul3A_229 : vector<8x512xf32>
    %add3A_231 = vector.broadcast %get3A_4 : vector<1x512xf32> to vector<8x512xf32>
    %add3A_232 = arith.addf %mul3A_230, %add3A_231 : vector<8x512xf32>
    %swap3A_233 = arith.constant 0 : index
    %swap3A_234 = arith.constant 0 : index
    %swap3A_235 = vector.load %arg30[%swap3A_233, %swap3A_234] : memref<8x512xf32, #tpu.memory_space<vmem>>, vector<8x512xf32>
    tpu.vector_store %arg30[%swap3A_233, %swap3A_234], %add3A_232 {strides = array<i32>} : memref<8x512xf32, #tpu.memory_space<vmem>>, vector<8x512xf32>,
    return
  }
  func.func @transform_0(%arg0: i32) -> (i32, i32) {
    %c0_i32 = arith.constant 0 : i32
    %c0_i32_0 = arith.constant 0 : i32
    return %arg0, %c0_i32 : i32, i32
  }
  func.func @transform_1(%arg0: i32) -> (i32, i32) {
    %c0_i32 = arith.constant 0 : i32
    %c0_i32_0 = arith.constant 0 : i32
    return %arg0, %c0_i32 : i32, i32
  }
  func.func @transform_2(%arg0: i32) -> (i32, i32) {
    %c0_i32 = arith.constant 0 : i32
    %c0_i32_0 = arith.constant 0 : i32
    return %arg0, %c0_i32 : i32, i32
  }
  func.func @transform_3(%arg0: i32) -> (i32, i32) {
    %c0_i32 = arith.constant 0 : i32
    %c0_i32_0 = arith.constant 0 : i32
    return %arg0, %c0_i32 : i32, i32
  }
  func.func @transform_4(%arg0: i32) -> (i32, i32) {
    %c0_i32 = arith.constant 0 : i32
    %c0_i32_0 = arith.constant 0 : i32
    return %arg0, %c0_i32 : i32, i32
  }
  func.func @transform_5(%arg0: i32) -> (i32, i32) {
    %c0_i32 = arith.constant 0 : i32
    %c0_i32_0 = arith.constant 0 : i32
    return %arg0, %c0_i32 : i32, i32
  }
  func.func @transform_6(%arg0: i32) -> (i32, i32) {
    %c0_i32 = arith.constant 0 : i32
    %c0_i32_0 = arith.constant 0 : i32
    return %arg0, %c0_i32 : i32, i32
  }
  func.func @transform_7(%arg0: i32) -> (i32, i32) {
    %c0_i32 = arith.constant 0 : i32
    %c0_i32_0 = arith.constant 0 : i32
    return %arg0, %c0_i32 : i32, i32
  }
  func.func @transform_8(%arg0: i32) -> (i32, i32) {
    %c0_i32 = arith.constant 0 : i32
    %c0_i32_0 = arith.constant 0 : i32
    return %arg0, %c0_i32 : i32, i32
  }
  func.func @transform_9(%arg0: i32) -> (i32, i32) {
    %c0_i32 = arith.constant 0 : i32
    %c0_i32_0 = arith.constant 0 : i32
    return %arg0, %c0_i32 : i32, i32
  }
  func.func @transform_10(%arg0: i32) -> (i32, i32) {
    %c0_i32 = arith.constant 0 : i32
    %c0_i32_0 = arith.constant 0 : i32
    return %arg0, %c0_i32 : i32, i32
  }
  func.func @transform_11(%arg0: i32) -> (i32, i32, i32) {
    %c0_i32 = arith.constant 0 : i32
    %c0_i32_0 = arith.constant 0 : i32
    %c0_i32_1 = arith.constant 0 : i32
    return %arg0, %c0_i32, %c0_i32_0 : i32, i32, i32
  }
  func.func @transform_12(%arg0: i32) -> (i32, i32) {
    %c0_i32 = arith.constant 0 : i32
    %c0_i32_0 = arith.constant 0 : i32
    %c0_i32_1 = arith.constant 0 : i32
    return %c0_i32, %c0_i32_0 : i32, i32
  }
  func.func @transform_13(%arg0: i32) -> (i32, i32) {
    %c0_i32 = arith.constant 0 : i32
    %c0_i32_0 = arith.constant 0 : i32
    %c0_i32_1 = arith.constant 0 : i32
    return %c0_i32, %c0_i32_0 : i32, i32
  }
  func.func @transform_14(%arg0: i32) -> (i32, i32) {
    %c0_i32 = arith.constant 0 : i32
    %c0_i32_0 = arith.constant 0 : i32
    %c0_i32_1 = arith.constant 0 : i32
    return %c0_i32, %c0_i32_0 : i32, i32
  }
  func.func @transform_15(%arg0: i32) -> (i32, i32) {
    %c0_i32 = arith.constant 0 : i32
    %c0_i32_0 = arith.constant 0 : i32
    %c0_i32_1 = arith.constant 0 : i32
    return %c0_i32, %c0_i32_0 : i32, i32
  }
  func.func @transform_16(%arg0: i32) -> (i32, i32) {
    %c0_i32 = arith.constant 0 : i32
    %c0_i32_0 = arith.constant 0 : i32
    %c0_i32_1 = arith.constant 0 : i32
    return %c0_i32, %c0_i32_0 : i32, i32
  }
  func.func @transform_17(%arg0: i32) -> (i32, i32) {
    %c0_i32 = arith.constant 0 : i32
    %c0_i32_0 = arith.constant 0 : i32
    %c0_i32_1 = arith.constant 0 : i32
    return %c0_i32, %c0_i32_0 : i32, i32
  }
  func.func @transform_18(%arg0: i32) -> (i32, i32) {
    %c0_i32 = arith.constant 0 : i32
    %c0_i32_0 = arith.constant 0 : i32
    %c0_i32_1 = arith.constant 0 : i32
    return %c0_i32, %c0_i32_0 : i32, i32
  }
  func.func @transform_19(%arg0: i32) -> (i32, i32) {
    %c0_i32 = arith.constant 0 : i32
    %c0_i32_0 = arith.constant 0 : i32
    %c0_i32_1 = arith.constant 0 : i32
    return %c0_i32, %c0_i32_0 : i32, i32
  }
  func.func @transform_20(%arg0: i32) -> (i32, i32) {
    %c0_i32 = arith.constant 0 : i32
    %c0_i32_0 = arith.constant 0 : i32
    %c0_i32_1 = arith.constant 0 : i32
    return %c0_i32, %c0_i32_0 : i32, i32
  }
  func.func @transform_21(%arg0: i32) -> (i32, i32) {
    %c0_i32 = arith.constant 0 : i32
    %c0_i32_0 = arith.constant 0 : i32
    %c0_i32_1 = arith.constant 0 : i32
    return %c0_i32, %c0_i32_0 : i32, i32
  }
  func.func @transform_22(%arg0: i32) -> (i32, i32) {
    %c0_i32 = arith.constant 0 : i32
    %c0_i32_0 = arith.constant 0 : i32
    %c0_i32_1 = arith.constant 0 : i32
    return %c0_i32, %c0_i32_0 : i32, i32
  }
  func.func @transform_23(%arg0: i32) -> (i32, i32) {
    %c0_i32 = arith.constant 0 : i32
    %c0_i32_0 = arith.constant 0 : i32
    %c0_i32_1 = arith.constant 0 : i32
    return %c0_i32, %c0_i32_0 : i32, i32
  }
  func.func @transform_24(%arg0: i32) -> (i32, i32) {
    %c0_i32 = arith.constant 0 : i32
    %c0_i32_0 = arith.constant 0 : i32
    %c0_i32_1 = arith.constant 0 : i32
    return %c0_i32, %c0_i32_0 : i32, i32
  }
  func.func @transform_25(%arg0: i32) -> (i32, i32) {
    %c0_i32 = arith.constant 0 : i32
    %c0_i32_0 = arith.constant 0 : i32
    return %arg0, %c0_i32 : i32, i32
  }
  func.func @transform_26(%arg0: i32) -> (i32, i32) {
    %c0_i32 = arith.constant 0 : i32
    %c0_i32_0 = arith.constant 0 : i32
    return %arg0, %c0_i32 : i32, i32
  }
  func.func @transform_27(%arg0: i32) -> (i32, i32) {
    %c0_i32 = arith.constant 0 : i32
    %c0_i32_0 = arith.constant 0 : i32
    return %arg0, %c0_i32 : i32, i32
  }
  func.func @transform_28(%arg0: i32) -> (i32, i32) {
    %c0_i32 = arith.constant 0 : i32
    %c0_i32_0 = arith.constant 0 : i32
    return %arg0, %c0_i32 : i32, i32
  }
  func.func @transform_29(%arg0: i32) -> (i32, i32) {
    %c0_i32 = arith.constant 0 : i32
    %c0_i32_0 = arith.constant 0 : i32
    return %arg0, %c0_i32 : i32, i32
  }
}

</mosaic_0001>

<sc_bundles>
// kernel: kernel.4.cloned.1.call-start
scs
__scs_entry_jumppad:
0x0: {  	(pc) =	sbr.rel $0x88, $3  }
0x1: {  	(tag) =	ssettag $0x0;
	lr =	simm.s32 $0x1  }
0x2: {  	[smem:$0x3F88] =	sst lr;
	_ =	strace $0xD0000000  }
0x3: {  	_ = 	snop  }
0x4: {  	_ = 	snop  }
0x5: {  	_ = 	snop  }
0x6: {  	_ = 	snop  }
0x7: {  	_ = 	snop  }
__scs_overlays_trampoline_lowered:
0x8: {  	[smem:$0x3F97] =	sst s0  }
0x9: {  	[smem:$0x3F98] =	sst s1  }
0xa: {  	[smem:$0x3F99] =	sst s2  }
0xb: {  	[smem:$0x3F9A] =	sst s3  }
0xc: {  	[smem:$0x3F9B] =	sst s4  }
0xd: {  	[smem:$0x3F9C] =	sst s5  }
0xe: {  	[smem:$0x3F9D] =	sst s6  }
0xf: {  	[smem:$0x3F9E] =	sst s7  }
0x10: {  	[smem:$0x3F9F] =	sst s8  }
0x11: {  	[smem:$0x3FA0] =	sst s9;
	s0 =	simm.s32 @!p0 $0x0  }
0x12: {  	s1 =	sld [smem:$0x3F86];
	s0 =	simm.s32 @p0 $0x1  }
0x13: {  	[smem:$0x3FA1] =	sst s0;
	s0 =	simm.s32 @!p1 $0x0  }
0x14: {  	s2 =	sld [smem:$0x3F85];
	s0 =	simm.s32 @p1 $0x1  }
0x15: {  	[smem:$0x3FA2] =	sst s0;
	s0 =	simm.s32 @!p2 $0x0  }
0x16: {  	s3 =	sld [smem:$0x3FDB];
	s0 =	simm.s32 @p2 $0x1  }
0x17: {  	s4 =	simm.s32 $0x1BF5;
	[smem:$0x3FA4] =	sst s0  }
0x18: {  	s0 =	sld [smem:$0x3F87];
	_ =	swait.ge [sflag:s4], $0x0  }
0x19: {  	s7 =	sld [smem:$0x3F88]  }
0x1a: {  	s8 =	sadd.s32 $0xFFFFE003, lr  }
0x1b: {  	s9 =	sadd.s32 $0xFFFFFEF7, lr;
	s5 =	simm.s32 $0xFFFFFFFF;
	p2 =	slt.u32 s8, $0xFFFFF086  }
0x1c: {  	p1 =	slt.u32 s9, $0xF7A;
	s5 =	simm.s32 @!p2 $0x0  }
0x1d: {  	s5 =	simm.s32 @p1 $0x1;
	p0 =	seq.s32 s7, s2  }
0x1e: {  	s7 =	smul.u32 @!p0 $0xF7A, s2;
	p2 =	seq.s32 @!p0 s5, $0x0  }
0x1f: {  	s9 =	smul.u32 $0xF7A, s1;
	s8 =	simm.s32 @!p0 $0x1BF5;
	p2 =	por !p2, p0  }
0x20: {  	[sflag:s8] =	ssyncset.s32 @!p0 $0xFFFFF086;
	s6 =	sadd.s32 @!p0 s3, s7;
	s7 =	simm.s32 @!p0 $0x108  }
0x21: {  	s3 =	sadd.s32 s3, s9;
	s6 =	sadd.s32 @!p0 $0x88, s6;
	s7 =	simm.s32 @p2 $0x1082  }
0x22: {  	[simem:s7], [sflag:s8] =	dma.local @!p0 [hbm:s6], $0xF7A  }
0x23: {  	s9 =	sor.u32 $0xD0000000, s2;
	s6 =	simm.s32 $0x108;
	_ =	swait.ge @!p0 [sflag:s8], $0x0  }
0x24: {  	s3 =	sadd.s32 $0x88, s3;
	s6 =	simm.s32 @!p1 $0x1082;
	[sflag:s4] =	ssyncset.s32 $0xFFFFF086  }
0x25: {  	[simem:s6], [sflag:s4] =	dma.local [hbm:s3], $0xF7A  }
0x26: {  	[smem:$0x3F88] =	sst s1;
	(tag) =	ssettag s2;
	_ =	strace s9  }
0x27: {  	s1 =	sld [smem:$0x3F98]  }
0x28: {  	s2 =	sld [smem:$0x3F99]  }
0x29: {  	s4 =	sld [smem:$0x3F9B]  }
0x2a: {  	p0 =	seq.s32 s5, $0x0;
	s5 =	sld [smem:$0x3F9C]  }
0x2b: {  	s6 =	sld [smem:$0x3F9D]  }
0x2c: {  	s7 =	sld [smem:$0x3F9E]  }
0x2d: {  	s3 =	simm.s32 $0x108;
	s8 =	sld [smem:$0x3F9F]  }
0x2e: {  	s3 =	simm.s32 @!p0 $0x1082;
	s9 =	sld [smem:$0x3FA0]  }
0x2f: {  	lr =	sadd.s32 s0, s3;
	s0 =	sld [smem:$0x3F97]  }
0x30: {  	s3 =	sld [smem:$0x3F9A]  }
0x31: {  	[smem:$0x3FA3] =	sst s10  }
0x32: {  	s10 =	sld [smem:$0x3FA1];
	_ =	sdelay $0x3  }
0x33: {  	p0 =	seq.s32 s10, $0x1;
	s10 =	sld [smem:$0x3FA3];
	_ =	sdelay $0x3  }
0x34: {  	[smem:$0x3FA3] =	sst s10  }
0x35: {  	s10 =	sld [smem:$0x3FA2];
	_ =	sdelay $0x3  }
0x36: {  	p1 =	seq.s32 s10, $0x1;
	s10 =	sld [smem:$0x3FA3];
	_ =	sdelay $0x3  }
0x37: {  	[smem:$0x3FA3] =	sst s10  }
0x38: {  	s10 =	sld [smem:$0x3FA4]  }
0x39: {  	_ = 	snop;
	(pc) =	sbr.ind lr, $3  }
0x3a: {  	_ = 	snop  }
0x3b: {  	_ = 	snop  }
0x3c: {  	p2 =	seq.s32 s10, $0x1;
	s10 =	sld [smem:$0x3FA3]  }
0x3d: {  	_ =	shalt  }
0x3e: {  	_ =	shalt  }
0x3f: {  	_ =	shalt  }
0x40: {  	_ =	shalt  }
0x41: {  	_ =	shalt  }
0x42: {  	_ =	shalt  }
0x43: {  	_ =	shalt  }
0x44: {  	_ =	shalt  }
0x45: {  	_ =	shalt  }
0x46: {  	_ =	shalt  }
0x47: {  	_ =	shalt  }
0x48: {  	_ =	shalt  }
0x49: {  	_ =	shalt  }
0x4a: {  	_ =	shalt  }
0x4b: {  	_ =	shalt  }
0x4c: {  	_ =	shalt  }
0x4d: {  	_ =	shalt  }
0x4e: {  	_ =	shalt  }
0x4f: {  	_ =	shalt  }
0x50: {  	_ =	shalt  }
0x51: {  	_ =	shalt  }
0x52: {  	_ =	shalt  }
0x53: {  	_ =	shalt  }
0x54: {  	_ =	shalt  }
0x55: {  	_ =	shalt  }
0x56: {  	_ =	shalt  }
0x57: {  	_ =	shalt  }
0x58: {  	_ =	shalt  }
0x59: {  	_ =	shalt  }
0x5a: {  	_ =	shalt  }
0x5b: {  	_ =	shalt  }
0x5c: {  	_ =	shalt  }
0x5d: {  	_ =	shalt  }
0x5e: {  	_ =	shalt  }
0x5f: {  	_ =	shalt  }
0x60: {  	_ =	shalt  }
0x61: {  	_ =	shalt  }
0x62: {  	_ =	shalt  }
0x63: {  	_ =	shalt  }
0x64: {  	_ =	shalt  }
0x65: {  	_ =	shalt  }
0x66: {  	_ =	shalt  }
0x67: {  	_ =	shalt  }
0x68: {  	_ =	shalt  }
0x69: {  	_ =	shalt  }
0x6a: {  	_ =	shalt  }
0x6b: {  	_ =	shalt  }
0x6c: {  	_ =	shalt  }
0x6d: {  	_ =	shalt  }
0x6e: {  	_ =	shalt  }
0x6f: {  	_ =	shalt  }
0x70: {  	_ =	shalt  }
0x71: {  	_ =	shalt  }
0x72: {  	_ =	shalt  }
0x73: {  	_ =	shalt  }
0x74: {  	_ =	shalt  }
0x75: {  	_ =	shalt  }
0x76: {  	_ =	shalt  }
0x77: {  	_ =	shalt  }
0x78: {  	_ =	shalt  }
0x79: {  	_ =	shalt  }
0x7a: {  	_ =	shalt  }
0x7b: {  	_ =	shalt  }
0x7c: {  	_ =	shalt  }
0x7d: {  	_ =	shalt  }
0x7e: {  	_ =	shalt  }
0x7f: {  	_ =	shalt  }
0x80: {  	_ =	shalt  }
0x81: {  	_ =	shalt  }
0x82: {  	_ =	shalt  }
0x83: {  	_ =	shalt  }
0x84: {  	_ =	shalt  }
0x85: {  	_ =	shalt  }
0x86: {  	_ =	shalt  }
0x87: {  	_ =	shalt  }
.Lfunc_end0:
.L_simem_size_0:
called_computation.3_lowered:
.L_overlay_start_0:
0x88: {  	s2 =	sld [smem:$0x3FD9]  }
0x89: {  	s3 =	sld [smem:$0x3FFE];
	_ =	sdelay $0x1  }
0x8a: {  	s1 =	srdreg.scid  }
0x8b: {  	s0 =	sand.u32 $0x1, s1  }
0x8c: {  	s14 =	sshll.u32 s0, $0xA;
	s2 =	sadd.s32 s3, s2  }
0x8d: {  	s2 =	sadd.s32 s2, s14  }
0x8e: {  	[smem:$0x3FAF] =	sst s2  }
0x8f: {  	_ = 	snop  }
0x90: {  	s2 =	sld [smem:$0x3FD0]  }
0x91: {  	s15 =	sld [smem:$0x3FBB]  }
0x92: {  	s4 =	sld [smem:$0x3FBA]  }
0x93: {  	s6 =	simm.s32 $0xC;
	s7 =	simm.s32 $0x10;
	s5 =	sld [smem:$0x3FB9]  }
0x94: {  	[smem:s7], [sflag:s6] =	dma.local [hbm:s2], $0x1  }
0x95: {  	_ =	swait.eq [sflag:s6], $0x1  }
0x96: {  	s16 =	sld [smem:$0x10];
	[sflag:s6] =	ssyncset.done $0x0  }
0x97: {  	s17 =	sld [smem:$0x11];
	[sflag:s6] =	ssyncadd.s32 $0xFFFFFFFF  }
0x98: {  	s18 =	sld [smem:$0x14];
	(tm) =	ssettm $0x1  }
0x99: {  	s8 =	sld [smem:$0x3FFB];
	_ =	sdelay $0x3  }
0x9a: {  	_ =	strace s8  }
0x9b: {  	s8 =	sld [smem:$0x3FFC];
	_ =	sdelay $0x3  }
0x9c: {  	_ =	strace s8  }
0x9d: {  	s8 =	sld [smem:$0x3FFD];
	_ =	sdelay $0x3  }
0x9e: {  	_ =	strace s8  }
0x9f: {  	_ =	strace $0x8FFFFFFF  }
0xa0: {  	s19 =	sld [smem:$0x3FDB];
	_ =	sdelay $0x1  }
0xa1: {  	s9 =	simm.s32 $_scs_section_size  }
0xa2: {  	s10 =	simm.s32 $_size__tile_overlayer_lowered;
	s11 =	simm.s32 $_tile_overlayer_lowered  }
0xa3: {  	s22 =	simm.s32 $0x1BFF;
	s21 =	sshll.u32 s11, $0x1;
	s8 =	sadd.s32 s9, s19  }
0xa4: {  	s12 =	simm.s32 $0x0;
	s20 =	sshll.u32 s10, $0x1;
	s10 =	sadd.s32 s21, s8  }
0xa5: {  	[timem:s12], [sflag:s22] =	dma.local [hbm:s10], s20  }
0xa6: {  	_ =	swait.ge [sflag:s22], s20  }
0xa7: {  	s9 =	ssub.s32 $0x0, s20;
	[sflag:s22] =	ssyncset.done $0x0  }
0xa8: {  	[sflag:s22] =	ssyncadd.s32 s9;
	_ =	sdelay $0x1  }
0xa9: {  	s23 =	simm.s32 $0x1B8B  }
0xaa: {  	_ =	swait.ge [sflag:s23], $0x1  }
0xab: {  	[sflag:s23] =	ssyncset.done $0x0  }
0xac: {  	s25 =	simm.s32 $0x1B8E;
	s24 =	sld [smem:$0x3FFE];
	[sflag:s23] =	ssyncadd.s32 $0xFFFFFFFF  }
0xad: {  	s26 =	simm.s32 $execute0_lowered;
	[smem:$0x3FD2] =	sst s25  }
0xae: {  	s10 =	sshll.u32 s26, $0x1;
	_ =	strace $0x80000046;
	[dreg:$0x1] =	wrdreg $0xFFFFFFFF  }
0xaf: {  	s28 =	simm.s32 $_size_execute0_lowered;
	s8 =	sadd.s32 s8, s10;
	[dreg:$0x0] =	wrdreg $0x0  }
0xb0: {  	s10 =	sshll.u32 s28, $0x1;
	[dreg:$0x2] =	wrdreg s8  }
0xb1: {  	[dreg:$0x3] =	wrdreg s10  }
0xb2: {  	[dreg:$0x4] =	wrdreg $0xC0  }
0xb3: {  	_ =	task [dreg:s12], $0x5FFFF  }
0xb4: {  	[dreg:$0x1] =	wrdreg $0xFFFFFFFF  }
0xb5: {  	[dreg:$0x0] =	wrdreg $0x60  }
0xb6: {  	[dreg:$0x2] =	wrdreg s15  }
0xb7: {  	[dreg:$0x3] =	wrdreg s4  }
0xb8: {  	[dreg:$0x4] =	wrdreg s5  }
0xb9: {  	[dreg:$0x5] =	wrdreg s18  }
0xba: {  	[dreg:$0x6] =	wrdreg s16  }
0xbb: {  	[dreg:$0x7] =	wrdreg s17  }
0xbc: {  	[dreg:$0x8] =	wrdreg s24  }
0xbd: {  	[dreg:$0x9] =	wrdreg $0x9  }
0xbe: {  	_ =	task.clear_ibuf [dreg:s12], $0xAFFFF;
	_ =	strace $0x90000046  }
0xbf: {  	s29 =	simm.s32 $0x9;
	_ =	strace $0x80000048  }
0xc0: {  	_ =	swait.ge [sflag:s29], $0x1  }
0xc1: {  	[sflag:s29] =	ssyncadd.s32 $0xFFFFFFFF  }
0xc2: {  	_ =	strace $0x90000048  }
0xc3: {  	_ =	sfence  }
0xc4: {  	s30 =	sld [smem:$0x0];
	_ =	sdelay $0x2  }
0xc5: {  	s31 =	sshll.u32 s1, $0xD;
	s1 =	sshrl.u32 s1, $0x2  }
0xc6: {  	s3 =	sand.u32 $0x4000, s31;
	s1 =	sadd.s32 s1, s30  }
0xc7: {  	s0 =	sor.u32 s3, s0;
	s1 =	sshll.u32 s1, $0x11  }
0xc8: {  	s0 =	sor.u32 s1, s0  }
0xc9: {  	s0 =	sadd.s32 $0x8F2B, s0  }
0xca: {  	[sflag:s0] =	ssyncadd.remote.s32 $0x1  }
0xcb: {  	_ =	sfence.sel $0xFFFF  }
0xcc: {  	[dreg:$0x0] =	wrdreg $0xFFFFFFFF;
	(pc) =	sbr.abs _section_cstart, $3  }
0xcd: {  	[dreg:$0x1] =	wrdreg $0xFFFFFFFF  }
0xce: {  	_ =	task.clear_ibuf [dreg:s12], $0x2FFFF;
	_ =	strace $0x9FFFFFFF  }
0xcf: {  	(tm) =	ssettm $0x7FFFFFFF  }
tec
execute0_lowered:
.L_overlay_start_1:
0x0: {  	(tag) =	ssettag $0x1  }
0x1: {  	s0 =	rddreg [dreg:$0x0]  }
0x2: {  	s1 =	rddreg [dreg:$0x1]  }
0x3: {  	s3 =	rddreg [dreg:$0x2]  }
0x4: {  	s2 =	rddreg [dreg:$0x3]  }
0x5: {  	s4 =	rddreg [dreg:$0x4]  }
0x6: {  	s6 =	rddreg [dreg:$0x5];
	s10 =	stileid.u32  }
0x7: {  	s5 =	srdreg.scid;
	s7 =	rddreg [dreg:$0x6]  }
0x8: {  	s14 =	simm.s32 $0x680;
	s15 =	simm.s32 $0x10E80;
	s16 =	simm.s32 $0x11680  }
0x9: {  	s17 =	simm.s32 $0x11E80;
	s18 =	simm.s32 $0x12680;
	s28 =	simm.s32 $0x14E80  }
0xa: {  	s29 =	simm.s32 $0x15680;
	s30 =	simm.s32 $0x15E80;
	s8 =	sand.u32 $0x1, s5  }
0xb: {  	s9 =	sshll.u32 s10, $0x1;
	s5 =	simm.s32 $0x0;
	s10 =	smul.u32 $0x32000, s10  }
0xc: {  	s9 =	sor.u32 s8, s9;
	s11 =	ssub.s32 $0x2, s8;
	s8 =	smul.u32 $0x19000, s8  }
0xd: {  	s31 =	simm.s32 $0x16680;
	[smem:$0x7FF] =	sst s5;
	s9 =	smul.u32 $0x640, s9  }
0xe: {  	_ =	strace $0x80000047;
	s12 =	sshrl.u32 s11, $0x1;
	s19 =	sadd.s32 s10, s7  }
0xf: {  	s7 =	sadd.s32 $0x100, s0;
	s10 =	simm.s32 $0x18E80;
	s20 =	ssub.s32 s11, s12  }
0x10: {  	s22 =	sadd.s32 s8, s19;
	s11 =	sadd.s32 $0x100, s3;
	s12 =	simm.s32 $0x10680  }
0x11: {  	s19 =	simm.s32 $0x12E80;
	s8 =	simm.s32 $0x18680;
	s13 =	sshrl.u32 s9, $0x3  }
0x12: {  	s9 =	sadd.s32 $0x100, s1;
	s24 =	sadd.s32 $0x4400, s22;
	s25 =	sadd.s32 $0x324400, s22  }
0x13: {  	s26 =	smax.u32 s20, $0x1;
	s20 =	simm.s32 $0x1;
	[dreg:$0x8] =	wrdreg s24  }
0x14: {  	s2 =	sadd.s32 s2, s13;
	s21 =	sadd.s32 s4, s13;
	[dreg:$0xe] =	wrdreg s26  }
0x15: {  	s23 =	sadd.s32 s6, s13;
	[dreg:$0x9] =	wrdreg s25;
	s13 =	simm.s32 $0x2  }
0x16: {  	s24 =	simm.s32 $0x13680;
	s25 =	simm.s32 $0x13E80;
	[dreg:$0xb] =	wrdreg s2  }
0x17: {  	v2 =	vlaneseq.u32;
	s26 =	simm.s32 $0x14680;
	s4 =	simm.s32 $0x16E80;
	[dreg:$0xc] =	wrdreg s21  }
0x18: {  	vm0 =	vmmov $0xffff;
	v1 =	vshrl.u32 v2, $0x3;
	s6 =	simm.s32 $0x17E80;
	[dreg:$0xd] =	wrdreg s23;
	s2 =	sadd.s32 $0x644400, s22  }
0x19: {  	v0 =	vand.u32 $0x7, v2;
	v2 =	vor.u32 $0x8, v2;
	v1 =	vmul.u32 $0x8, v1;
	s23 =	simm.s32 $0xE80;
	[dreg:$0xa] =	wrdreg s2;
	s2 =	simm.s32 $0x0  }
.LBB2_1:
0x1a: {  	[dreg:$0xf] =	wrdreg s2  }
0x1b: {  	s21 =	rddreg [dreg:$0xb]  }
0x1c: {  	[tilespmem:s5], [sflag:$0x2] =	stream.linear.gather [hbm4b:s21+s5], $0x640, $0x38;
	[tilespmem:$0x19680] =	vst v63  }
0x1d: {  	_ =	swait.ge [sflag:s13], $0x640  }
0x1e: {  	s22 =	simm.s32 $0x0;
	[sflag:s13] =	ssyncset.done $0x0  }
0x1f: {  	s2 =	simm.s32 $0x17680;
	s21 =	simm.s32 $0x60;
	[sflag:s13] =	ssyncadd.s32 $0xFFFFF9C0  }
.LBB2_2:
0x20: {  	v3 =	vld [tilespmem:s21+$0xFFFFFFA0];
	_ =	sdelay $0x4  }
0x21: {  	v4 =	vshll.u32 v3, $0x2  }
0x22: {  	v3 =	vand.u32 $0x7, v3;
	v4 =	vand.u32 $0xFFFFFFE0, v4  }
0x23: {  	v3 =	vor.u32 v3, v4  }
0x24: {  	v4 =	vperm.xlane v3, v0;
	_ =	sdelay $0x1  }
0x25: {  	v4 =	vadd.s32 v1, v4;
	_ =	sdelay $0x1  }
0x26: {  	v3 =	vperm.xlane v3, v2;
	_ =	sdelay $0x1  }
0x27: {  	v3 =	vadd.s32 v1, v3  }
0x28: {  	[tilespmem:s14], [sflag:$0x1] =	stream.indirect_vreg.gather [hbm4b:s0+s5], $0x80, v4, vm0, $0xb8;
	[tilespmem:$0x19680] =	vst v63  }
0x29: {  	_ = 	snop  }
0x2a: {  	[tilespmem:s23], [sflag:$0x1] =	stream.indirect_vreg.gather [hbm4b:s7+s5], $0x80, v4, vm0, $0xb8;
	[tilespmem:$0x19680] =	vst v63  }
0x2b: {  	s23 =	simm.s32 $0x1680  }
0x2c: {  	[tilespmem:s23], [sflag:$0x1] =	stream.indirect_vreg.gather [hbm4b:s0+s5], $0x80, v3, vm0, $0xb8;
	[tilespmem:$0x19680] =	vst v63  }
0x2d: {  	s23 =	simm.s32 $0x1E80  }
0x2e: {  	[tilespmem:s23], [sflag:$0x1] =	stream.indirect_vreg.gather [hbm4b:s7+s5], $0x80, v3, vm0, $0xb8;
	[tilespmem:$0x19680] =	vst v63  }
0x2f: {  	v3 =	vld [tilespmem:s21+$0xFFFFFFB0];
	_ =	sdelay $0x4  }
0x30: {  	v52 =	vshll.u32 v3, $0x2  }
0x31: {  	v3 =	vand.u32 $0x7, v3;
	v4 =	vand.u32 $0xFFFFFFE0, v52  }
0x32: {  	v3 =	vor.u32 v3, v4  }
0x33: {  	v4 =	vperm.xlane v3, v0;
	_ =	sdelay $0x1  }
0x34: {  	v4 =	vadd.s32 v1, v4;
	_ =	sdelay $0x1  }
0x35: {  	v3 =	vperm.xlane v3, v2;
	_ =	sdelay $0x1  }
0x36: {  	s23 =	simm.s32 $0x2680;
	v3 =	vadd.s32 v1, v3  }
0x37: {  	[tilespmem:s23], [sflag:$0x1] =	stream.indirect_vreg.gather [hbm4b:s0+s5], $0x80, v4, vm0, $0xb8;
	[tilespmem:$0x19680] =	vst v63  }
0x38: {  	s23 =	simm.s32 $0x2E80  }
0x39: {  	[tilespmem:s23], [sflag:$0x1] =	stream.indirect_vreg.gather [hbm4b:s7+s5], $0x80, v4, vm0, $0xb8;
	[tilespmem:$0x19680] =	vst v63  }
0x3a: {  	s23 =	simm.s32 $0x3680  }
0x3b: {  	[tilespmem:s23], [sflag:$0x1] =	stream.indirect_vreg.gather [hbm4b:s0+s5], $0x80, v3, vm0, $0xb8;
	[tilespmem:$0x19680] =	vst v63  }
0x3c: {  	s23 =	simm.s32 $0x3E80  }
0x3d: {  	[tilespmem:s23], [sflag:$0x1] =	stream.indirect_vreg.gather [hbm4b:s7+s5], $0x80, v3, vm0, $0xb8;
	[tilespmem:$0x19680] =	vst v63  }
0x3e: {  	v3 =	vld [tilespmem:s21+$0xFFFFFFC0];
	_ =	sdelay $0x4  }
0x3f: {  	v53 =	vshll.u32 v3, $0x2  }
0x40: {  	v3 =	vand.u32 $0x7, v3;
	v4 =	vand.u32 $0xFFFFFFE0, v53  }
0x41: {  	v3 =	vor.u32 v3, v4  }
0x42: {  	v4 =	vperm.xlane v3, v0;
	_ =	sdelay $0x1  }
0x43: {  	v4 =	vadd.s32 v1, v4;
	_ =	sdelay $0x1  }
0x44: {  	v3 =	vperm.xlane v3, v2;
	_ =	sdelay $0x1  }
0x45: {  	s23 =	simm.s32 $0x4680;
	v3 =	vadd.s32 v1, v3  }
0x46: {  	[tilespmem:s23], [sflag:$0x1] =	stream.indirect_vreg.gather [hbm4b:s0+s5], $0x80, v4, vm0, $0xb8;
	[tilespmem:$0x19680] =	vst v63  }
0x47: {  	s23 =	simm.s32 $0x4E80  }
0x48: {  	[tilespmem:s23], [sflag:$0x1] =	stream.indirect_vreg.gather [hbm4b:s7+s5], $0x80, v4, vm0, $0xb8;
	[tilespmem:$0x19680] =	vst v63  }
0x49: {  	s23 =	simm.s32 $0x5680  }
0x4a: {  	[tilespmem:s23], [sflag:$0x1] =	stream.indirect_vreg.gather [hbm4b:s0+s5], $0x80, v3, vm0, $0xb8;
	[tilespmem:$0x19680] =	vst v63  }
0x4b: {  	s23 =	simm.s32 $0x5E80  }
0x4c: {  	[tilespmem:s23], [sflag:$0x1] =	stream.indirect_vreg.gather [hbm4b:s7+s5], $0x80, v3, vm0, $0xb8;
	[tilespmem:$0x19680] =	vst v63  }
0x4d: {  	v3 =	vld [tilespmem:s21+$0xFFFFFFD0];
	_ =	sdelay $0x4  }
0x4e: {  	v54 =	vshll.u32 v3, $0x2  }
0x4f: {  	v3 =	vand.u32 $0x7, v3;
	v4 =	vand.u32 $0xFFFFFFE0, v54  }
0x50: {  	v3 =	vor.u32 v3, v4  }
0x51: {  	v4 =	vperm.xlane v3, v0;
	_ =	sdelay $0x1  }
0x52: {  	v4 =	vadd.s32 v1, v4;
	_ =	sdelay $0x1  }
0x53: {  	v3 =	vperm.xlane v3, v2;
	_ =	sdelay $0x1  }
0x54: {  	s23 =	simm.s32 $0x6680;
	v3 =	vadd.s32 v1, v3  }
0x55: {  	[tilespmem:s23], [sflag:$0x1] =	stream.indirect_vreg.gather [hbm4b:s0+s5], $0x80, v4, vm0, $0xb8;
	[tilespmem:$0x19680] =	vst v63  }
0x56: {  	s23 =	simm.s32 $0x6E80  }
0x57: {  	[tilespmem:s23], [sflag:$0x1] =	stream.indirect_vreg.gather [hbm4b:s7+s5], $0x80, v4, vm0, $0xb8;
	[tilespmem:$0x19680] =	vst v63  }
0x58: {  	s23 =	simm.s32 $0x7680  }
0x59: {  	[tilespmem:s23], [sflag:$0x1] =	stream.indirect_vreg.gather [hbm4b:s0+s5], $0x80, v3, vm0, $0xb8;
	[tilespmem:$0x19680] =	vst v63  }
0x5a: {  	s23 =	simm.s32 $0x7E80  }
0x5b: {  	[tilespmem:s23], [sflag:$0x1] =	stream.indirect_vreg.gather [hbm4b:s7+s5], $0x80, v3, vm0, $0xb8;
	[tilespmem:$0x19680] =	vst v63  }
0x5c: {  	v3 =	vld [tilespmem:s21+$0xFFFFFFE0];
	_ =	sdelay $0x4  }
0x5d: {  	v55 =	vshll.u32 v3, $0x2  }
0x5e: {  	v3 =	vand.u32 $0x7, v3;
	v4 =	vand.u32 $0xFFFFFFE0, v55  }
0x5f: {  	v3 =	vor.u32 v3, v4  }
0x60: {  	v4 =	vperm.xlane v3, v0;
	_ =	sdelay $0x1  }
0x61: {  	v4 =	vadd.s32 v1, v4;
	_ =	sdelay $0x1  }
0x62: {  	v3 =	vperm.xlane v3, v2;
	_ =	sdelay $0x1  }
0x63: {  	s23 =	simm.s32 $0x8680;
	v3 =	vadd.s32 v1, v3  }
0x64: {  	[tilespmem:s23], [sflag:$0x1] =	stream.indirect_vreg.gather [hbm4b:s0+s5], $0x80, v4, vm0, $0xb8;
	[tilespmem:$0x19680] =	vst v63  }
0x65: {  	s23 =	simm.s32 $0x8E80  }
0x66: {  	[tilespmem:s23], [sflag:$0x1] =	stream.indirect_vreg.gather [hbm4b:s7+s5], $0x80, v4, vm0, $0xb8;
	[tilespmem:$0x19680] =	vst v63  }
0x67: {  	s23 =	simm.s32 $0x9680  }
0x68: {  	[tilespmem:s23], [sflag:$0x1] =	stream.indirect_vreg.gather [hbm4b:s0+s5], $0x80, v3, vm0, $0xb8;
	[tilespmem:$0x19680] =	vst v63  }
0x69: {  	s23 =	simm.s32 $0x9E80  }
0x6a: {  	[tilespmem:s23], [sflag:$0x1] =	stream.indirect_vreg.gather [hbm4b:s7+s5], $0x80, v3, vm0, $0xb8;
	[tilespmem:$0x19680] =	vst v63  }
0x6b: {  	v3 =	vld [tilespmem:s21+$0xFFFFFFF0];
	_ =	sdelay $0x4  }
0x6c: {  	v56 =	vshll.u32 v3, $0x2  }
0x6d: {  	v3 =	vand.u32 $0x7, v3;
	v4 =	vand.u32 $0xFFFFFFE0, v56  }
0x6e: {  	v3 =	vor.u32 v3, v4  }
0x6f: {  	v4 =	vperm.xlane v3, v0;
	_ =	sdelay $0x1  }
0x70: {  	v4 =	vadd.s32 v1, v4;
	_ =	sdelay $0x1  }
0x71: {  	v3 =	vperm.xlane v3, v2;
	_ =	sdelay $0x1  }
0x72: {  	s23 =	simm.s32 $0xA680;
	v3 =	vadd.s32 v1, v3  }
0x73: {  	[tilespmem:s23], [sflag:$0x1] =	stream.indirect_vreg.gather [hbm4b:s0+s5], $0x80, v4, vm0, $0xb8;
	[tilespmem:$0x19680] =	vst v63  }
0x74: {  	s23 =	simm.s32 $0xAE80  }
0x75: {  	[tilespmem:s23], [sflag:$0x1] =	stream.indirect_vreg.gather [hbm4b:s7+s5], $0x80, v4, vm0, $0xb8;
	[tilespmem:$0x19680] =	vst v63  }
0x76: {  	s23 =	simm.s32 $0xB680  }
0x77: {  	[tilespmem:s23], [sflag:$0x1] =	stream.indirect_vreg.gather [hbm4b:s0+s5], $0x80, v3, vm0, $0xb8;
	[tilespmem:$0x19680] =	vst v63  }
0x78: {  	s23 =	simm.s32 $0xBE80  }
0x79: {  	[tilespmem:s23], [sflag:$0x1] =	stream.indirect_vreg.gather [hbm4b:s7+s5], $0x80, v3, vm0, $0xb8;
	[tilespmem:$0x19680] =	vst v63  }
0x7a: {  	v3 =	vld [tilespmem:s21+$0x0];
	_ =	sdelay $0x4  }
0x7b: {  	v57 =	vshll.u32 v3, $0x2  }
0x7c: {  	v3 =	vand.u32 $0x7, v3;
	v4 =	vand.u32 $0xFFFFFFE0, v57  }
0x7d: {  	v3 =	vor.u32 v3, v4  }
0x7e: {  	v4 =	vperm.xlane v3, v0;
	_ =	sdelay $0x1  }
0x7f: {  	v4 =	vadd.s32 v1, v4;
	_ =	sdelay $0x1  }
0x80: {  	v3 =	vperm.xlane v3, v2;
	_ =	sdelay $0x1  }
0x81: {  	s23 =	simm.s32 $0xC680;
	v3 =	vadd.s32 v1, v3  }
0x82: {  	[tilespmem:s23], [sflag:$0x1] =	stream.indirect_vreg.gather [hbm4b:s0+s5], $0x80, v4, vm0, $0xb8;
	[tilespmem:$0x19680] =	vst v63  }
0x83: {  	s23 =	simm.s32 $0xCE80  }
0x84: {  	[tilespmem:s23], [sflag:$0x1] =	stream.indirect_vreg.gather [hbm4b:s7+s5], $0x80, v4, vm0, $0xb8;
	[tilespmem:$0x19680] =	vst v63  }
0x85: {  	s23 =	simm.s32 $0xD680  }
0x86: {  	[tilespmem:s23], [sflag:$0x1] =	stream.indirect_vreg.gather [hbm4b:s0+s5], $0x80, v3, vm0, $0xb8;
	[tilespmem:$0x19680] =	vst v63  }
0x87: {  	s23 =	simm.s32 $0xDE80  }
0x88: {  	[tilespmem:s23], [sflag:$0x1] =	stream.indirect_vreg.gather [hbm4b:s7+s5], $0x80, v3, vm0, $0xb8;
	[tilespmem:$0x19680] =	vst v63  }
0x89: {  	v3 =	vld [tilespmem:s21+$0x10];
	_ =	sdelay $0x4  }
0x8a: {  	v58 =	vshll.u32 v3, $0x2  }
0x8b: {  	v3 =	vand.u32 $0x7, v3;
	v4 =	vand.u32 $0xFFFFFFE0, v58  }
0x8c: {  	v3 =	vor.u32 v3, v4  }
0x8d: {  	v4 =	vperm.xlane v3, v0;
	_ =	sdelay $0x1  }
0x8e: {  	v4 =	vadd.s32 v1, v4;
	_ =	sdelay $0x1  }
0x8f: {  	v3 =	vperm.xlane v3, v2;
	_ =	sdelay $0x1  }
0x90: {  	s23 =	simm.s32 $0xE680;
	v3 =	vadd.s32 v1, v3  }
0x91: {  	[tilespmem:s23], [sflag:$0x1] =	stream.indirect_vreg.gather [hbm4b:s0+s5], $0x80, v4, vm0, $0xb8;
	[tilespmem:$0x19680] =	vst v63  }
0x92: {  	s23 =	simm.s32 $0xEE80  }
0x93: {  	[tilespmem:s23], [sflag:$0x1] =	stream.indirect_vreg.gather [hbm4b:s7+s5], $0x80, v4, vm0, $0xb8;
	[tilespmem:$0x19680] =	vst v63  }
0x94: {  	s23 =	simm.s32 $0xF680  }
0x95: {  	[tilespmem:s23], [sflag:$0x1] =	stream.indirect_vreg.gather [hbm4b:s0+s5], $0x80, v3, vm0, $0xb8;
	[tilespmem:$0x19680] =	vst v63  }
0x96: {  	s23 =	simm.s32 $0xFE80  }
0x97: {  	[tilespmem:s23], [sflag:$0x1] =	stream.indirect_vreg.gather [hbm4b:s7+s5], $0x80, v3, vm0, $0xb8;
	[tilespmem:$0x19680] =	vst v63  }
0x98: {  	v3 =	vld [tilespmem:s21+$0x20];
	_ =	sdelay $0x4  }
0x99: {  	v59 =	vshll.u32 v3, $0x2  }
0x9a: {  	v3 =	vand.u32 $0x7, v3;
	v4 =	vand.u32 $0xFFFFFFE0, v59  }
0x9b: {  	v3 =	vor.u32 v3, v4  }
0x9c: {  	v4 =	vperm.xlane v3, v0;
	_ =	sdelay $0x1  }
0x9d: {  	v4 =	vadd.s32 v1, v4;
	_ =	sdelay $0x1  }
0x9e: {  	v3 =	vperm.xlane v3, v2;
	_ =	sdelay $0x1  }
0x9f: {  	v3 =	vadd.s32 v1, v3  }
0xa0: {  	[tilespmem:s12], [sflag:$0x1] =	stream.indirect_vreg.gather [hbm4b:s0+s5], $0x80, v4, vm0, $0xb8;
	[tilespmem:$0x19680] =	vst v63  }
0xa1: {  	_ = 	snop  }
0xa2: {  	[tilespmem:s15], [sflag:$0x1] =	stream.indirect_vreg.gather [hbm4b:s7+s5], $0x80, v4, vm0, $0xb8;
	[tilespmem:$0x19680] =	vst v63  }
0xa3: {  	_ = 	snop  }
0xa4: {  	[tilespmem:s16], [sflag:$0x1] =	stream.indirect_vreg.gather [hbm4b:s0+s5], $0x80, v3, vm0, $0xb8;
	[tilespmem:$0x19680] =	vst v63  }
0xa5: {  	_ = 	snop  }
0xa6: {  	[tilespmem:s17], [sflag:$0x1] =	stream.indirect_vreg.gather [hbm4b:s7+s5], $0x80, v3, vm0, $0xb8;
	[tilespmem:$0x19680] =	vst v63  }
0xa7: {  	v3 =	vld [tilespmem:s21+$0x30];
	_ =	sdelay $0x4  }
0xa8: {  	v60 =	vshll.u32 v3, $0x2  }
0xa9: {  	v3 =	vand.u32 $0x7, v3;
	v4 =	vand.u32 $0xFFFFFFE0, v60  }
0xaa: {  	v3 =	vor.u32 v3, v4  }
0xab: {  	v4 =	vperm.xlane v3, v0;
	_ =	sdelay $0x1  }
0xac: {  	v4 =	vadd.s32 v1, v4;
	_ =	sdelay $0x1  }
0xad: {  	v3 =	vperm.xlane v3, v2;
	_ =	sdelay $0x1  }
0xae: {  	v3 =	vadd.s32 v1, v3  }
0xaf: {  	[tilespmem:s18], [sflag:$0x1] =	stream.indirect_vreg.gather [hbm4b:s0+s5], $0x80, v4, vm0, $0xb8;
	[tilespmem:$0x19680] =	vst v63  }
0xb0: {  	_ = 	snop  }
0xb1: {  	[tilespmem:s19], [sflag:$0x1] =	stream.indirect_vreg.gather [hbm4b:s7+s5], $0x80, v4, vm0, $0xb8;
	[tilespmem:$0x19680] =	vst v63  }
0xb2: {  	_ = 	snop  }
0xb3: {  	[tilespmem:s24], [sflag:$0x1] =	stream.indirect_vreg.gather [hbm4b:s0+s5], $0x80, v3, vm0, $0xb8;
	[tilespmem:$0x19680] =	vst v63  }
0xb4: {  	_ = 	snop  }
0xb5: {  	[tilespmem:s25], [sflag:$0x1] =	stream.indirect_vreg.gather [hbm4b:s7+s5], $0x80, v3, vm0, $0xb8;
	[tilespmem:$0x19680] =	vst v63  }
0xb6: {  	v3 =	vld [tilespmem:s21+$0x40];
	_ =	sdelay $0x4  }
0xb7: {  	v61 =	vshll.u32 v3, $0x2  }
0xb8: {  	v3 =	vand.u32 $0x7, v3;
	v4 =	vand.u32 $0xFFFFFFE0, v61  }
0xb9: {  	v3 =	vor.u32 v3, v4  }
0xba: {  	v4 =	vperm.xlane v3, v0;
	_ =	sdelay $0x1  }
0xbb: {  	v4 =	vadd.s32 v1, v4;
	_ =	sdelay $0x1  }
0xbc: {  	v3 =	vperm.xlane v3, v2;
	_ =	sdelay $0x1  }
0xbd: {  	v3 =	vadd.s32 v1, v3  }
0xbe: {  	[tilespmem:s26], [sflag:$0x1] =	stream.indirect_vreg.gather [hbm4b:s0+s5], $0x80, v4, vm0, $0xb8;
	[tilespmem:$0x19680] =	vst v63  }
0xbf: {  	_ = 	snop  }
0xc0: {  	[tilespmem:s28], [sflag:$0x1] =	stream.indirect_vreg.gather [hbm4b:s7+s5], $0x80, v4, vm0, $0xb8;
	[tilespmem:$0x19680] =	vst v63  }
0xc1: {  	_ = 	snop  }
0xc2: {  	[tilespmem:s29], [sflag:$0x1] =	stream.indirect_vreg.gather [hbm4b:s0+s5], $0x80, v3, vm0, $0xb8;
	[tilespmem:$0x19680] =	vst v63  }
0xc3: {  	_ = 	snop  }
0xc4: {  	[tilespmem:s30], [sflag:$0x1] =	stream.indirect_vreg.gather [hbm4b:s7+s5], $0x80, v3, vm0, $0xb8;
	[tilespmem:$0x19680] =	vst v63  }
0xc5: {  	v3 =	vld [tilespmem:s21+$0x50];
	_ =	sdelay $0x4  }
0xc6: {  	v62 =	vshll.u32 v3, $0x2  }
0xc7: {  	v3 =	vand.u32 $0x7, v3;
	v4 =	vand.u32 $0xFFFFFFE0, v62  }
0xc8: {  	v3 =	vor.u32 v3, v4  }
0xc9: {  	v4 =	vperm.xlane v3, v0;
	_ =	sdelay $0x1  }
0xca: {  	v4 =	vadd.s32 v1, v4;
	_ =	sdelay $0x1  }
0xcb: {  	v3 =	vperm.xlane v3, v2;
	_ =	sdelay $0x1  }
0xcc: {  	v3 =	vadd.s32 v1, v3  }
0xcd: {  	[tilespmem:s31], [sflag:$0x1] =	stream.indirect_vreg.gather [hbm4b:s0+s5], $0x80, v4, vm0, $0xb8;
	[tilespmem:$0x19680] =	vst v63  }
0xce: {  	_ = 	snop  }
0xcf: {  	[tilespmem:s4], [sflag:$0x1] =	stream.indirect_vreg.gather [hbm4b:s7+s5], $0x80, v4, vm0, $0xb8;
	[tilespmem:$0x19680] =	vst v63  }
0xd0: {  	_ = 	snop  }
0xd1: {  	[tilespmem:s2], [sflag:$0x1] =	stream.indirect_vreg.gather [hbm4b:s0+s5], $0x80, v3, vm0, $0xb8;
	[tilespmem:$0x19680] =	vst v63  }
0xd2: {  	_ = 	snop  }
0xd3: {  	[tilespmem:s6], [sflag:$0x1] =	stream.indirect_vreg.gather [hbm4b:s7+s5], $0x80, v3, vm0, $0xb8;
	[tilespmem:$0x19680] =	vst v63  }
0xd4: {  	v3 =	vld.msk [tilespmem:s21+$0x60], $0xff;
	_ =	sdelay $0x4  }
0xd5: {  	v63 =	vshll.u32 v3, $0x2  }
0xd6: {  	v3 =	vand.u32 $0x7, v3;
	v4 =	vand.u32 $0xFFFFFFE0, v63  }
0xd7: {  	v3 =	vor.u32 v3, v4  }
0xd8: {  	v3 =	vperm.xlane v3, v0;
	_ =	sdelay $0x1  }
0xd9: {  	v3 =	vadd.s32 v1, v3;
	_ =	sdelay $0x4  }
0xda: {  	[tilespmem:s8], [sflag:$0x1] =	stream.indirect_vreg.gather [hbm4b:s0+s5], $0x80, v3, vm0, $0xb8;
	[tilespmem:$0x19680] =	vst v63  }
0xdb: {  	_ = 	snop  }
0xdc: {  	[tilespmem:s10], [sflag:$0x1] =	stream.indirect_vreg.gather [hbm4b:s7+s5], $0x80, v3, vm0, $0xb8;
	[tilespmem:$0x19680] =	vst v63  }
0xdd: {  	_ =	swait.ge [sflag:s20], $0x19000  }
0xde: {  	p0 =	sne.s32 s22, $0x15E00;
	s23 =	rddreg [dreg:$0x8];
	[sflag:s20] =	ssyncset.done $0x0  }
.Ltmp0:
0xdf: {  	[sflag:s20] =	ssyncadd.s32 $0xFFFE7000;
	s23 =	sadd.s32 s22, s23;
	(pc) =	sbr.rel @p0 .LBB2_2-.Ltmp0, $4  }
0xe0: {  	[hbm4b:s23+s5] =	stream.linear.scatter [tilespmem:s14], [sflag:$0x2], $0x19000, $0x38;
	[tilespmem:$0x19680] =	vst v63  }
0xe1: {  	_ =	swait.ge [sflag:s13], $0x19000  }
0xe2: {  	s21 =	sadd.s32 $0xC8, s21;
	[sflag:s13] =	ssyncset.done $0x0  }
0xe3: {  	s22 =	sadd.s32 $0x3200, s22;
	s23 =	simm.s32 $0xE80;
	[sflag:s13] =	ssyncadd.s32 $0xFFFE7000  }
0xe4: {  	s21 =	simm.s32 $0x0;
	s22 =	rddreg [dreg:$0xc]  }
0xe5: {  	[tilespmem:s21], [sflag:$0x2] =	stream.linear.gather [hbm4b:s22+s21], $0x640, $0x38;
	[tilespmem:$0x19680] =	vst v63  }
0xe6: {  	_ =	swait.ge [sflag:s13], $0x640  }
0xe7: {  	[sflag:s13] =	ssyncset.done $0x0  }
0xe8: {  	s22 =	simm.s32 $0x60;
	[sflag:s13] =	ssyncadd.s32 $0xFFFFF9C0  }
.LBB2_4:
0xe9: {  	v3 =	vld [tilespmem:s22+$0xFFFFFFA0];
	_ =	sdelay $0x4  }
0xea: {  	v4 =	vshll.u32 v3, $0x2  }
0xeb: {  	v3 =	vand.u32 $0x7, v3;
	v4 =	vand.u32 $0xFFFFFFE0, v4  }
0xec: {  	v3 =	vor.u32 v3, v4  }
0xed: {  	v4 =	vperm.xlane v3, v0;
	_ =	sdelay $0x1  }
0xee: {  	v4 =	vadd.s32 v1, v4;
	_ =	sdelay $0x1  }
0xef: {  	v3 =	vperm.xlane v3, v2;
	_ =	sdelay $0x1  }
0xf0: {  	v3 =	vadd.s32 v1, v3  }
0xf1: {  	[tilespmem:s14], [sflag:$0x1] =	stream.indirect_vreg.gather [hbm4b:s1+s5], $0x80, v4, vm0, $0xb8;
	[tilespmem:$0x19680] =	vst v63  }
0xf2: {  	_ = 	snop  }
0xf3: {  	[tilespmem:s23], [sflag:$0x1] =	stream.indirect_vreg.gather [hbm4b:s9+s5], $0x80, v4, vm0, $0xb8;
	[tilespmem:$0x19680] =	vst v63  }
0xf4: {  	s23 =	simm.s32 $0x1680  }
0xf5: {  	[tilespmem:s23], [sflag:$0x1] =	stream.indirect_vreg.gather [hbm4b:s1+s5], $0x80, v3, vm0, $0xb8;
	[tilespmem:$0x19680] =	vst v63  }
0xf6: {  	s23 =	simm.s32 $0x1E80  }
0xf7: {  	[tilespmem:s23], [sflag:$0x1] =	stream.indirect_vreg.gather [hbm4b:s9+s5], $0x80, v3, vm0, $0xb8;
	[tilespmem:$0x19680] =	vst v63  }
0xf8: {  	v3 =	vld [tilespmem:s22+$0xFFFFFFB0];
	_ =	sdelay $0x4  }
0xf9: {  	v52 =	vshll.u32 v3, $0x2  }
0xfa: {  	v3 =	vand.u32 $0x7, v3;
	v4 =	vand.u32 $0xFFFFFFE0, v52  }
0xfb: {  	v3 =	vor.u32 v3, v4  }
0xfc: {  	v4 =	vperm.xlane v3, v0;
	_ =	sdelay $0x1  }
0xfd: {  	v4 =	vadd.s32 v1, v4;
	_ =	sdelay $0x1  }
0xfe: {  	v3 =	vperm.xlane v3, v2;
	_ =	sdelay $0x1  }
0xff: {  	s23 =	simm.s32 $0x2680;
	v3 =	vadd.s32 v1, v3  }
0x100: {  	[tilespmem:s23], [sflag:$0x1] =	stream.indirect_vreg.gather [hbm4b:s1+s5], $0x80, v4, vm0, $0xb8;
	[tilespmem:$0x19680] =	vst v63  }
0x101: {  	s23 =	simm.s32 $0x2E80  }
0x102: {  	[tilespmem:s23], [sflag:$0x1] =	stream.indirect_vreg.gather [hbm4b:s9+s5], $0x80, v4, vm0, $0xb8;
	[tilespmem:$0x19680] =	vst v63  }
0x103: {  	s23 =	simm.s32 $0x3680  }
0x104: {  	[tilespmem:s23], [sflag:$0x1] =	stream.indirect_vreg.gather [hbm4b:s1+s5], $0x80, v3, vm0, $0xb8;
	[tilespmem:$0x19680] =	vst v63  }
0x105: {  	s23 =	simm.s32 $0x3E80  }
0x106: {  	[tilespmem:s23], [sflag:$0x1] =	stream.indirect_vreg.gather [hbm4b:s9+s5], $0x80, v3, vm0, $0xb8;
	[tilespmem:$0x19680] =	vst v63  }
0x107: {  	v3 =	vld [tilespmem:s22+$0xFFFFFFC0];
	_ =	sdelay $0x4  }
0x108: {  	v53 =	vshll.u32 v3, $0x2  }
0x109: {  	v3 =	vand.u32 $0x7, v3;
	v4 =	vand.u32 $0xFFFFFFE0, v53  }
0x10a: {  	v3 =	vor.u32 v3, v4  }
0x10b: {  	v4 =	vperm.xlane v3, v0;
	_ =	sdelay $0x1  }
0x10c: {  	v4 =	vadd.s32 v1, v4;
	_ =	sdelay $0x1  }
0x10d: {  	v3 =	vperm.xlane v3, v2;
	_ =	sdelay $0x1  }
0x10e: {  	s23 =	simm.s32 $0x4680;
	v3 =	vadd.s32 v1, v3  }
0x10f: {  	[tilespmem:s23], [sflag:$0x1] =	stream.indirect_vreg.gather [hbm4b:s1+s5], $0x80, v4, vm0, $0xb8;
	[tilespmem:$0x19680] =	vst v63  }
0x110: {  	s23 =	simm.s32 $0x4E80  }
0x111: {  	[tilespmem:s23], [sflag:$0x1] =	stream.indirect_vreg.gather [hbm4b:s9+s5], $0x80, v4, vm0, $0xb8;
	[tilespmem:$0x19680] =	vst v63  }
0x112: {  	s23 =	simm.s32 $0x5680  }
0x113: {  	[tilespmem:s23], [sflag:$0x1] =	stream.indirect_vreg.gather [hbm4b:s1+s5], $0x80, v3, vm0, $0xb8;
	[tilespmem:$0x19680] =	vst v63  }
0x114: {  	s23 =	simm.s32 $0x5E80  }
0x115: {  	[tilespmem:s23], [sflag:$0x1] =	stream.indirect_vreg.gather [hbm4b:s9+s5], $0x80, v3, vm0, $0xb8;
	[tilespmem:$0x19680] =	vst v63  }
0x116: {  	v3 =	vld [tilespmem:s22+$0xFFFFFFD0];
	_ =	sdelay $0x4  }
0x117: {  	v54 =	vshll.u32 v3, $0x2  }
0x118: {  	v3 =	vand.u32 $0x7, v3;
	v4 =	vand.u32 $0xFFFFFFE0, v54  }
0x119: {  	v3 =	vor.u32 v3, v4  }
0x11a: {  	v4 =	vperm.xlane v3, v0;
	_ =	sdelay $0x1  }
0x11b: {  	v4 =	vadd.s32 v1, v4;
	_ =	sdelay $0x1  }
0x11c: {  	v3 =	vperm.xlane v3, v2;
	_ =	sdelay $0x1  }
0x11d: {  	s23 =	simm.s32 $0x6680;
	v3 =	vadd.s32 v1, v3  }
0x11e: {  	[tilespmem:s23], [sflag:$0x1] =	stream.indirect_vreg.gather [hbm4b:s1+s5], $0x80, v4, vm0, $0xb8;
	[tilespmem:$0x19680] =	vst v63  }
0x11f: {  	s23 =	simm.s32 $0x6E80  }
0x120: {  	[tilespmem:s23], [sflag:$0x1] =	stream.indirect_vreg.gather [hbm4b:s9+s5], $0x80, v4, vm0, $0xb8;
	[tilespmem:$0x19680] =	vst v63  }
0x121: {  	s23 =	simm.s32 $0x7680  }
0x122: {  	[tilespmem:s23], [sflag:$0x1] =	stream.indirect_vreg.gather [hbm4b:s1+s5], $0x80, v3, vm0, $0xb8;
	[tilespmem:$0x19680] =	vst v63  }
0x123: {  	s23 =	simm.s32 $0x7E80  }
0x124: {  	[tilespmem:s23], [sflag:$0x1] =	stream.indirect_vreg.gather [hbm4b:s9+s5], $0x80, v3, vm0, $0xb8;
	[tilespmem:$0x19680] =	vst v63  }
0x125: {  	v3 =	vld [tilespmem:s22+$0xFFFFFFE0];
	_ =	sdelay $0x4  }
0x126: {  	v55 =	vshll.u32 v3, $0x2  }
0x127: {  	v3 =	vand.u32 $0x7, v3;
	v4 =	vand.u32 $0xFFFFFFE0, v55  }
0x128: {  	v3 =	vor.u32 v3, v4  }
0x129: {  	v4 =	vperm.xlane v3, v0;
	_ =	sdelay $0x1  }
0x12a: {  	v4 =	vadd.s32 v1, v4;
	_ =	sdelay $0x1  }
0x12b: {  	v3 =	vperm.xlane v3, v2;
	_ =	sdelay $0x1  }
0x12c: {  	s23 =	simm.s32 $0x8680;
	v3 =	vadd.s32 v1, v3  }
0x12d: {  	[tilespmem:s23], [sflag:$0x1] =	stream.indirect_vreg.gather [hbm4b:s1+s5], $0x80, v4, vm0, $0xb8;
	[tilespmem:$0x19680] =	vst v63  }
0x12e: {  	s23 =	simm.s32 $0x8E80  }
0x12f: {  	[tilespmem:s23], [sflag:$0x1] =	stream.indirect_vreg.gather [hbm4b:s9+s5], $0x80, v4, vm0, $0xb8;
	[tilespmem:$0x19680] =	vst v63  }
0x130: {  	s23 =	simm.s32 $0x9680  }
0x131: {  	[tilespmem:s23], [sflag:$0x1] =	stream.indirect_vreg.gather [hbm4b:s1+s5], $0x80, v3, vm0, $0xb8;
	[tilespmem:$0x19680] =	vst v63  }
0x132: {  	s23 =	simm.s32 $0x9E80  }
0x133: {  	[tilespmem:s23], [sflag:$0x1] =	stream.indirect_vreg.gather [hbm4b:s9+s5], $0x80, v3, vm0, $0xb8;
	[tilespmem:$0x19680] =	vst v63  }
0x134: {  	v3 =	vld [tilespmem:s22+$0xFFFFFFF0];
	_ =	sdelay $0x4  }
0x135: {  	v56 =	vshll.u32 v3, $0x2  }
0x136: {  	v3 =	vand.u32 $0x7, v3;
	v4 =	vand.u32 $0xFFFFFFE0, v56  }
0x137: {  	v3 =	vor.u32 v3, v4  }
0x138: {  	v4 =	vperm.xlane v3, v0;
	_ =	sdelay $0x1  }
0x139: {  	v4 =	vadd.s32 v1, v4;
	_ =	sdelay $0x1  }
0x13a: {  	v3 =	vperm.xlane v3, v2;
	_ =	sdelay $0x1  }
0x13b: {  	s23 =	simm.s32 $0xA680;
	v3 =	vadd.s32 v1, v3  }
0x13c: {  	[tilespmem:s23], [sflag:$0x1] =	stream.indirect_vreg.gather [hbm4b:s1+s5], $0x80, v4, vm0, $0xb8;
	[tilespmem:$0x19680] =	vst v63  }
0x13d: {  	s23 =	simm.s32 $0xAE80  }
0x13e: {  	[tilespmem:s23], [sflag:$0x1] =	stream.indirect_vreg.gather [hbm4b:s9+s5], $0x80, v4, vm0, $0xb8;
	[tilespmem:$0x19680] =	vst v63  }
0x13f: {  	s23 =	simm.s32 $0xB680  }
0x140: {  	[tilespmem:s23], [sflag:$0x1] =	stream.indirect_vreg.gather [hbm4b:s1+s5], $0x80, v3, vm0, $0xb8;
	[tilespmem:$0x19680] =	vst v63  }
0x141: {  	s23 =	simm.s32 $0xBE80  }
0x142: {  	[tilespmem:s23], [sflag:$0x1] =	stream.indirect_vreg.gather [hbm4b:s9+s5], $0x80, v3, vm0, $0xb8;
	[tilespmem:$0x19680] =	vst v63  }
0x143: {  	v3 =	vld [tilespmem:s22+$0x0];
	_ =	sdelay $0x4  }
0x144: {  	v57 =	vshll.u32 v3, $0x2  }
0x145: {  	v3 =	vand.u32 $0x7, v3;
	v4 =	vand.u32 $0xFFFFFFE0, v57  }
0x146: {  	v3 =	vor.u32 v3, v4  }
0x147: {  	v4 =	vperm.xlane v3, v0;
	_ =	sdelay $0x1  }
0x148: {  	v4 =	vadd.s32 v1, v4;
	_ =	sdelay $0x1  }
0x149: {  	v3 =	vperm.xlane v3, v2;
	_ =	sdelay $0x1  }
0x14a: {  	s23 =	simm.s32 $0xC680;
	v3 =	vadd.s32 v1, v3  }
0x14b: {  	[tilespmem:s23], [sflag:$0x1] =	stream.indirect_vreg.gather [hbm4b:s1+s5], $0x80, v4, vm0, $0xb8;
	[tilespmem:$0x19680] =	vst v63  }
0x14c: {  	s23 =	simm.s32 $0xCE80  }
0x14d: {  	[tilespmem:s23], [sflag:$0x1] =	stream.indirect_vreg.gather [hbm4b:s9+s5], $0x80, v4, vm0, $0xb8;
	[tilespmem:$0x19680] =	vst v63  }
0x14e: {  	s23 =	simm.s32 $0xD680  }
0x14f: {  	[tilespmem:s23], [sflag:$0x1] =	stream.indirect_vreg.gather [hbm4b:s1+s5], $0x80, v3, vm0, $0xb8;
	[tilespmem:$0x19680] =	vst v63  }
0x150: {  	s23 =	simm.s32 $0xDE80  }
0x151: {  	[tilespmem:s23], [sflag:$0x1] =	stream.indirect_vreg.gather [hbm4b:s9+s5], $0x80, v3, vm0, $0xb8;
	[tilespmem:$0x19680] =	vst v63  }
0x152: {  	v3 =	vld [tilespmem:s22+$0x10];
	_ =	sdelay $0x4  }
0x153: {  	v58 =	vshll.u32 v3, $0x2  }
0x154: {  	v3 =	vand.u32 $0x7, v3;
	v4 =	vand.u32 $0xFFFFFFE0, v58  }
0x155: {  	v3 =	vor.u32 v3, v4  }
0x156: {  	v4 =	vperm.xlane v3, v0;
	_ =	sdelay $0x1  }
0x157: {  	v4 =	vadd.s32 v1, v4;
	_ =	sdelay $0x1  }
0x158: {  	v3 =	vperm.xlane v3, v2;
	_ =	sdelay $0x1  }
0x159: {  	s23 =	simm.s32 $0xE680;
	v3 =	vadd.s32 v1, v3  }
0x15a: {  	[tilespmem:s23], [sflag:$0x1] =	stream.indirect_vreg.gather [hbm4b:s1+s5], $0x80, v4, vm0, $0xb8;
	[tilespmem:$0x19680] =	vst v63  }
0x15b: {  	s23 =	simm.s32 $0xEE80  }
0x15c: {  	[tilespmem:s23], [sflag:$0x1] =	stream.indirect_vreg.gather [hbm4b:s9+s5], $0x80, v4, vm0, $0xb8;
	[tilespmem:$0x19680] =	vst v63  }
0x15d: {  	s23 =	simm.s32 $0xF680  }
0x15e: {  	[tilespmem:s23], [sflag:$0x1] =	stream.indirect_vreg.gather [hbm4b:s1+s5], $0x80, v3, vm0, $0xb8;
	[tilespmem:$0x19680] =	vst v63  }
0x15f: {  	s23 =	simm.s32 $0xFE80  }
0x160: {  	[tilespmem:s23], [sflag:$0x1] =	stream.indirect_vreg.gather [hbm4b:s9+s5], $0x80, v3, vm0, $0xb8;
	[tilespmem:$0x19680] =	vst v63  }
0x161: {  	v3 =	vld [tilespmem:s22+$0x20];
	_ =	sdelay $0x4  }
0x162: {  	v59 =	vshll.u32 v3, $0x2  }
0x163: {  	v3 =	vand.u32 $0x7, v3;
	v4 =	vand.u32 $0xFFFFFFE0, v59  }
0x164: {  	v3 =	vor.u32 v3, v4  }
0x165: {  	v4 =	vperm.xlane v3, v0;
	_ =	sdelay $0x1  }
0x166: {  	v4 =	vadd.s32 v1, v4;
	_ =	sdelay $0x1  }
0x167: {  	v3 =	vperm.xlane v3, v2;
	_ =	sdelay $0x1  }
0x168: {  	v3 =	vadd.s32 v1, v3  }
0x169: {  	[tilespmem:s12], [sflag:$0x1] =	stream.indirect_vreg.gather [hbm4b:s1+s5], $0x80, v4, vm0, $0xb8;
	[tilespmem:$0x19680] =	vst v63  }
0x16a: {  	_ = 	snop  }
0x16b: {  	[tilespmem:s15], [sflag:$0x1] =	stream.indirect_vreg.gather [hbm4b:s9+s5], $0x80, v4, vm0, $0xb8;
	[tilespmem:$0x19680] =	vst v63  }
0x16c: {  	_ = 	snop  }
0x16d: {  	[tilespmem:s16], [sflag:$0x1] =	stream.indirect_vreg.gather [hbm4b:s1+s5], $0x80, v3, vm0, $0xb8;
	[tilespmem:$0x19680] =	vst v63  }
0x16e: {  	_ = 	snop  }
0x16f: {  	[tilespmem:s17], [sflag:$0x1] =	stream.indirect_vreg.gather [hbm4b:s9+s5], $0x80, v3, vm0, $0xb8;
	[tilespmem:$0x19680] =	vst v63  }
0x170: {  	v3 =	vld [tilespmem:s22+$0x30];
	_ =	sdelay $0x4  }
0x171: {  	v60 =	vshll.u32 v3, $0x2  }
0x172: {  	v3 =	vand.u32 $0x7, v3;
	v4 =	vand.u32 $0xFFFFFFE0, v60  }
0x173: {  	v3 =	vor.u32 v3, v4  }
0x174: {  	v4 =	vperm.xlane v3, v0;
	_ =	sdelay $0x1  }
0x175: {  	v4 =	vadd.s32 v1, v4;
	_ =	sdelay $0x1  }
0x176: {  	v3 =	vperm.xlane v3, v2;
	_ =	sdelay $0x1  }
0x177: {  	v3 =	vadd.s32 v1, v3  }
0x178: {  	[tilespmem:s18], [sflag:$0x1] =	stream.indirect_vreg.gather [hbm4b:s1+s5], $0x80, v4, vm0, $0xb8;
	[tilespmem:$0x19680] =	vst v63  }
0x179: {  	_ = 	snop  }
0x17a: {  	[tilespmem:s19], [sflag:$0x1] =	stream.indirect_vreg.gather [hbm4b:s9+s5], $0x80, v4, vm0, $0xb8;
	[tilespmem:$0x19680] =	vst v63  }
0x17b: {  	_ = 	snop  }
0x17c: {  	[tilespmem:s24], [sflag:$0x1] =	stream.indirect_vreg.gather [hbm4b:s1+s5], $0x80, v3, vm0, $0xb8;
	[tilespmem:$0x19680] =	vst v63  }
0x17d: {  	_ = 	snop  }
0x17e: {  	[tilespmem:s25], [sflag:$0x1] =	stream.indirect_vreg.gather [hbm4b:s9+s5], $0x80, v3, vm0, $0xb8;
	[tilespmem:$0x19680] =	vst v63  }
0x17f: {  	v3 =	vld [tilespmem:s22+$0x40];
	_ =	sdelay $0x4  }
0x180: {  	v61 =	vshll.u32 v3, $0x2  }
0x181: {  	v3 =	vand.u32 $0x7, v3;
	v4 =	vand.u32 $0xFFFFFFE0, v61  }
0x182: {  	v3 =	vor.u32 v3, v4  }
0x183: {  	v4 =	vperm.xlane v3, v0;
	_ =	sdelay $0x1  }
0x184: {  	v4 =	vadd.s32 v1, v4;
	_ =	sdelay $0x1  }
0x185: {  	v3 =	vperm.xlane v3, v2;
	_ =	sdelay $0x1  }
0x186: {  	v3 =	vadd.s32 v1, v3  }
0x187: {  	[tilespmem:s26], [sflag:$0x1] =	stream.indirect_vreg.gather [hbm4b:s1+s5], $0x80, v4, vm0, $0xb8;
	[tilespmem:$0x19680] =	vst v63  }
0x188: {  	_ = 	snop  }
0x189: {  	[tilespmem:s28], [sflag:$0x1] =	stream.indirect_vreg.gather [hbm4b:s9+s5], $0x80, v4, vm0, $0xb8;
	[tilespmem:$0x19680] =	vst v63  }
0x18a: {  	_ = 	snop  }
0x18b: {  	[tilespmem:s29], [sflag:$0x1] =	stream.indirect_vreg.gather [hbm4b:s1+s5], $0x80, v3, vm0, $0xb8;
	[tilespmem:$0x19680] =	vst v63  }
0x18c: {  	_ = 	snop  }
0x18d: {  	[tilespmem:s30], [sflag:$0x1] =	stream.indirect_vreg.gather [hbm4b:s9+s5], $0x80, v3, vm0, $0xb8;
	[tilespmem:$0x19680] =	vst v63  }
0x18e: {  	v3 =	vld [tilespmem:s22+$0x50];
	_ =	sdelay $0x4  }
0x18f: {  	v62 =	vshll.u32 v3, $0x2  }
0x190: {  	v3 =	vand.u32 $0x7, v3;
	v4 =	vand.u32 $0xFFFFFFE0, v62  }
0x191: {  	v3 =	vor.u32 v3, v4  }
0x192: {  	v4 =	vperm.xlane v3, v0;
	_ =	sdelay $0x1  }
0x193: {  	v4 =	vadd.s32 v1, v4;
	_ =	sdelay $0x1  }
0x194: {  	v3 =	vperm.xlane v3, v2;
	_ =	sdelay $0x1  }
0x195: {  	v3 =	vadd.s32 v1, v3  }
0x196: {  	[tilespmem:s31], [sflag:$0x1] =	stream.indirect_vreg.gather [hbm4b:s1+s5], $0x80, v4, vm0, $0xb8;
	[tilespmem:$0x19680] =	vst v63  }
0x197: {  	_ = 	snop  }
0x198: {  	[tilespmem:s4], [sflag:$0x1] =	stream.indirect_vreg.gather [hbm4b:s9+s5], $0x80, v4, vm0, $0xb8;
	[tilespmem:$0x19680] =	vst v63  }
0x199: {  	_ = 	snop  }
0x19a: {  	[tilespmem:s2], [sflag:$0x1] =	stream.indirect_vreg.gather [hbm4b:s1+s5], $0x80, v3, vm0, $0xb8;
	[tilespmem:$0x19680] =	vst v63  }
0x19b: {  	_ = 	snop  }
0x19c: {  	[tilespmem:s6], [sflag:$0x1] =	stream.indirect_vreg.gather [hbm4b:s9+s5], $0x80, v3, vm0, $0xb8;
	[tilespmem:$0x19680] =	vst v63  }
0x19d: {  	v3 =	vld.msk [tilespmem:s22+$0x60], $0xff;
	_ =	sdelay $0x4  }
0x19e: {  	v63 =	vshll.u32 v3, $0x2  }
0x19f: {  	v3 =	vand.u32 $0x7, v3;
	v4 =	vand.u32 $0xFFFFFFE0, v63  }
0x1a0: {  	v3 =	vor.u32 v3, v4  }
0x1a1: {  	v3 =	vperm.xlane v3, v0;
	_ =	sdelay $0x1  }
0x1a2: {  	v3 =	vadd.s32 v1, v3;
	_ =	sdelay $0x4  }
0x1a3: {  	[tilespmem:s8], [sflag:$0x1] =	stream.indirect_vreg.gather [hbm4b:s1+s5], $0x80, v3, vm0, $0xb8;
	[tilespmem:$0x19680] =	vst v63  }
0x1a4: {  	_ = 	snop  }
0x1a5: {  	[tilespmem:s10], [sflag:$0x1] =	stream.indirect_vreg.gather [hbm4b:s9+s5], $0x80, v3, vm0, $0xb8;
	[tilespmem:$0x19680] =	vst v63  }
0x1a6: {  	_ =	swait.ge [sflag:s20], $0x19000  }
0x1a7: {  	p0 =	sne.s32 s21, $0x15E00;
	s23 =	rddreg [dreg:$0x9];
	[sflag:s20] =	ssyncset.done $0x0  }
.Ltmp1:
0x1a8: {  	[sflag:s20] =	ssyncadd.s32 $0xFFFE7000;
	s23 =	sadd.s32 s21, s23;
	(pc) =	sbr.rel @p0 .LBB2_4-.Ltmp1, $4  }
0x1a9: {  	[hbm4b:s23+s5] =	stream.linear.scatter [tilespmem:s14], [sflag:$0x2], $0x19000, $0x38;
	[tilespmem:$0x19680] =	vst v63  }
0x1aa: {  	_ =	swait.ge [sflag:s13], $0x19000  }
0x1ab: {  	s22 =	sadd.s32 $0xC8, s22;
	[sflag:s13] =	ssyncset.done $0x0  }
0x1ac: {  	s21 =	sadd.s32 $0x3200, s21;
	s23 =	simm.s32 $0xE80;
	[sflag:s13] =	ssyncadd.s32 $0xFFFE7000  }
0x1ad: {  	s21 =	simm.s32 $0x0;
	s22 =	rddreg [dreg:$0xd]  }
0x1ae: {  	[tilespmem:s21], [sflag:$0x2] =	stream.linear.gather [hbm4b:s22+s21], $0x640, $0x38;
	[tilespmem:$0x19680] =	vst v63  }
0x1af: {  	_ =	swait.ge [sflag:s13], $0x640  }
0x1b0: {  	[sflag:s13] =	ssyncset.done $0x0  }
0x1b1: {  	s22 =	simm.s32 $0x60;
	[sflag:s13] =	ssyncadd.s32 $0xFFFFF9C0  }
.LBB2_6:
0x1b2: {  	v3 =	vld [tilespmem:s22+$0xFFFFFFA0];
	_ =	sdelay $0x4  }
0x1b3: {  	v4 =	vshll.u32 v3, $0x2  }
0x1b4: {  	v3 =	vand.u32 $0x7, v3;
	v4 =	vand.u32 $0xFFFFFFE0, v4  }
0x1b5: {  	v3 =	vor.u32 v3, v4  }
0x1b6: {  	v4 =	vperm.xlane v3, v0;
	_ =	sdelay $0x1  }
0x1b7: {  	v4 =	vadd.s32 v1, v4;
	_ =	sdelay $0x1  }
0x1b8: {  	v3 =	vperm.xlane v3, v2;
	_ =	sdelay $0x1  }
0x1b9: {  	v3 =	vadd.s32 v1, v3  }
0x1ba: {  	[tilespmem:s14], [sflag:$0x1] =	stream.indirect_vreg.gather [hbm4b:s3+s5], $0x80, v4, vm0, $0xb8;
	[tilespmem:$0x19680] =	vst v63  }
0x1bb: {  	_ = 	snop  }
0x1bc: {  	[tilespmem:s23], [sflag:$0x1] =	stream.indirect_vreg.gather [hbm4b:s11+s5], $0x80, v4, vm0, $0xb8;
	[tilespmem:$0x19680] =	vst v63  }
0x1bd: {  	s23 =	simm.s32 $0x1680  }
0x1be: {  	[tilespmem:s23], [sflag:$0x1] =	stream.indirect_vreg.gather [hbm4b:s3+s5], $0x80, v3, vm0, $0xb8;
	[tilespmem:$0x19680] =	vst v63  }
0x1bf: {  	s23 =	simm.s32 $0x1E80  }
0x1c0: {  	[tilespmem:s23], [sflag:$0x1] =	stream.indirect_vreg.gather [hbm4b:s11+s5], $0x80, v3, vm0, $0xb8;
	[tilespmem:$0x19680] =	vst v63  }
0x1c1: {  	v3 =	vld [tilespmem:s22+$0xFFFFFFB0];
	_ =	sdelay $0x4  }
0x1c2: {  	v52 =	vshll.u32 v3, $0x2  }
0x1c3: {  	v3 =	vand.u32 $0x7, v3;
	v4 =	vand.u32 $0xFFFFFFE0, v52  }
0x1c4: {  	v3 =	vor.u32 v3, v4  }
0x1c5: {  	v4 =	vperm.xlane v3, v0;
	_ =	sdelay $0x1  }
0x1c6: {  	v4 =	vadd.s32 v1, v4;
	_ =	sdelay $0x1  }
0x1c7: {  	v3 =	vperm.xlane v3, v2;
	_ =	sdelay $0x1  }
0x1c8: {  	s23 =	simm.s32 $0x2680;
	v3 =	vadd.s32 v1, v3  }
0x1c9: {  	[tilespmem:s23], [sflag:$0x1] =	stream.indirect_vreg.gather [hbm4b:s3+s5], $0x80, v4, vm0, $0xb8;
	[tilespmem:$0x19680] =	vst v63  }
0x1ca: {  	s23 =	simm.s32 $0x2E80  }
0x1cb: {  	[tilespmem:s23], [sflag:$0x1] =	stream.indirect_vreg.gather [hbm4b:s11+s5], $0x80, v4, vm0, $0xb8;
	[tilespmem:$0x19680] =	vst v63  }
0x1cc: {  	s23 =	simm.s32 $0x3680  }
0x1cd: {  	[tilespmem:s23], [sflag:$0x1] =	stream.indirect_vreg.gather [hbm4b:s3+s5], $0x80, v3, vm0, $0xb8;
	[tilespmem:$0x19680] =	vst v63  }
0x1ce: {  	s23 =	simm.s32 $0x3E80  }
0x1cf: {  	[tilespmem:s23], [sflag:$0x1] =	stream.indirect_vreg.gather [hbm4b:s11+s5], $0x80, v3, vm0, $0xb8;
	[tilespmem:$0x19680] =	vst v63  }
0x1d0: {  	v3 =	vld [tilespmem:s22+$0xFFFFFFC0];
	_ =	sdelay $0x4  }
0x1d1: {  	v53 =	vshll.u32 v3, $0x2  }
0x1d2: {  	v3 =	vand.u32 $0x7, v3;
	v4 =	vand.u32 $0xFFFFFFE0, v53  }
0x1d3: {  	v3 =	vor.u32 v3, v4  }
0x1d4: {  	v4 =	vperm.xlane v3, v0;
	_ =	sdelay $0x1  }
0x1d5: {  	v4 =	vadd.s32 v1, v4;
	_ =	sdelay $0x1  }
0x1d6: {  	v3 =	vperm.xlane v3, v2;
	_ =	sdelay $0x1  }
0x1d7: {  	s23 =	simm.s32 $0x4680;
	v3 =	vadd.s32 v1, v3  }
0x1d8: {  	[tilespmem:s23], [sflag:$0x1] =	stream.indirect_vreg.gather [hbm4b:s3+s5], $0x80, v4, vm0, $0xb8;
	[tilespmem:$0x19680] =	vst v63  }
0x1d9: {  	s23 =	simm.s32 $0x4E80  }
0x1da: {  	[tilespmem:s23], [sflag:$0x1] =	stream.indirect_vreg.gather [hbm4b:s11+s5], $0x80, v4, vm0, $0xb8;
	[tilespmem:$0x19680] =	vst v63  }
0x1db: {  	s23 =	simm.s32 $0x5680  }
0x1dc: {  	[tilespmem:s23], [sflag:$0x1] =	stream.indirect_vreg.gather [hbm4b:s3+s5], $0x80, v3, vm0, $0xb8;
	[tilespmem:$0x19680] =	vst v63  }
0x1dd: {  	s23 =	simm.s32 $0x5E80  }
0x1de: {  	[tilespmem:s23], [sflag:$0x1] =	stream.indirect_vreg.gather [hbm4b:s11+s5], $0x80, v3, vm0, $0xb8;
	[tilespmem:$0x19680] =	vst v63  }
0x1df: {  	v3 =	vld [tilespmem:s22+$0xFFFFFFD0];
	_ =	sdelay $0x4  }
0x1e0: {  	v54 =	vshll.u32 v3, $0x2  }
0x1e1: {  	v3 =	vand.u32 $0x7, v3;
	v4 =	vand.u32 $0xFFFFFFE0, v54  }
0x1e2: {  	v3 =	vor.u32 v3, v4  }
0x1e3: {  	v4 =	vperm.xlane v3, v0;
	_ =	sdelay $0x1  }
0x1e4: {  	v4 =	vadd.s32 v1, v4;
	_ =	sdelay $0x1  }
0x1e5: {  	v3 =	vperm.xlane v3, v2;
	_ =	sdelay $0x1  }
0x1e6: {  	s23 =	simm.s32 $0x6680;
	v3 =	vadd.s32 v1, v3  }
0x1e7: {  	[tilespmem:s23], [sflag:$0x1] =	stream.indirect_vreg.gather [hbm4b:s3+s5], $0x80, v4, vm0, $0xb8;
	[tilespmem:$0x19680] =	vst v63  }
0x1e8: {  	s23 =	simm.s32 $0x6E80  }
0x1e9: {  	[tilespmem:s23], [sflag:$0x1] =	stream.indirect_vreg.gather [hbm4b:s11+s5], $0x80, v4, vm0, $0xb8;
	[tilespmem:$0x19680] =	vst v63  }
0x1ea: {  	s23 =	simm.s32 $0x7680  }
0x1eb: {  	[tilespmem:s23], [sflag:$0x1] =	stream.indirect_vreg.gather [hbm4b:s3+s5], $0x80, v3, vm0, $0xb8;
	[tilespmem:$0x19680] =	vst v63  }
0x1ec: {  	s23 =	simm.s32 $0x7E80  }
0x1ed: {  	[tilespmem:s23], [sflag:$0x1] =	stream.indirect_vreg.gather [hbm4b:s11+s5], $0x80, v3, vm0, $0xb8;
	[tilespmem:$0x19680] =	vst v63  }
0x1ee: {  	v3 =	vld [tilespmem:s22+$0xFFFFFFE0];
	_ =	sdelay $0x4  }
0x1ef: {  	v55 =	vshll.u32 v3, $0x2  }
0x1f0: {  	v3 =	vand.u32 $0x7, v3;
	v4 =	vand.u32 $0xFFFFFFE0, v55  }
0x1f1: {  	v3 =	vor.u32 v3, v4  }
0x1f2: {  	v4 =	vperm.xlane v3, v0;
	_ =	sdelay $0x1  }
0x1f3: {  	v4 =	vadd.s32 v1, v4;
	_ =	sdelay $0x1  }
0x1f4: {  	v3 =	vperm.xlane v3, v2;
	_ =	sdelay $0x1  }
0x1f5: {  	s23 =	simm.s32 $0x8680;
	v3 =	vadd.s32 v1, v3  }
0x1f6: {  	[tilespmem:s23], [sflag:$0x1] =	stream.indirect_vreg.gather [hbm4b:s3+s5], $0x80, v4, vm0, $0xb8;
	[tilespmem:$0x19680] =	vst v63  }
0x1f7: {  	s23 =	simm.s32 $0x8E80  }
0x1f8: {  	[tilespmem:s23], [sflag:$0x1] =	stream.indirect_vreg.gather [hbm4b:s11+s5], $0x80, v4, vm0, $0xb8;
	[tilespmem:$0x19680] =	vst v63  }
0x1f9: {  	s23 =	simm.s32 $0x9680  }
0x1fa: {  	[tilespmem:s23], [sflag:$0x1] =	stream.indirect_vreg.gather [hbm4b:s3+s5], $0x80, v3, vm0, $0xb8;
	[tilespmem:$0x19680] =	vst v63  }
0x1fb: {  	s23 =	simm.s32 $0x9E80  }
0x1fc: {  	[tilespmem:s23], [sflag:$0x1] =	stream.indirect_vreg.gather [hbm4b:s11+s5], $0x80, v3, vm0, $0xb8;
	[tilespmem:$0x19680] =	vst v63  }
0x1fd: {  	v3 =	vld [tilespmem:s22+$0xFFFFFFF0];
	_ =	sdelay $0x4  }
0x1fe: {  	v56 =	vshll.u32 v3, $0x2  }
0x1ff: {  	v3 =	vand.u32 $0x7, v3;
	v4 =	vand.u32 $0xFFFFFFE0, v56  }
0x200: {  	v3 =	vor.u32 v3, v4  }
0x201: {  	v4 =	vperm.xlane v3, v0;
	_ =	sdelay $0x1  }
0x202: {  	v4 =	vadd.s32 v1, v4;
	_ =	sdelay $0x1  }
0x203: {  	v3 =	vperm.xlane v3, v2;
	_ =	sdelay $0x1  }
0x204: {  	s23 =	simm.s32 $0xA680;
	v3 =	vadd.s32 v1, v3  }
0x205: {  	[tilespmem:s23], [sflag:$0x1] =	stream.indirect_vreg.gather [hbm4b:s3+s5], $0x80, v4, vm0, $0xb8;
	[tilespmem:$0x19680] =	vst v63  }
0x206: {  	s23 =	simm.s32 $0xAE80  }
0x207: {  	[tilespmem:s23], [sflag:$0x1] =	stream.indirect_vreg.gather [hbm4b:s11+s5], $0x80, v4, vm0, $0xb8;
	[tilespmem:$0x19680] =	vst v63  }
0x208: {  	s23 =	simm.s32 $0xB680  }
0x209: {  	[tilespmem:s23], [sflag:$0x1] =	stream.indirect_vreg.gather [hbm4b:s3+s5], $0x80, v3, vm0, $0xb8;
	[tilespmem:$0x19680] =	vst v63  }
0x20a: {  	s23 =	simm.s32 $0xBE80  }
0x20b: {  	[tilespmem:s23], [sflag:$0x1] =	stream.indirect_vreg.gather [hbm4b:s11+s5], $0x80, v3, vm0, $0xb8;
	[tilespmem:$0x19680] =	vst v63  }
0x20c: {  	v3 =	vld [tilespmem:s22+$0x0];
	_ =	sdelay $0x4  }
0x20d: {  	v57 =	vshll.u32 v3, $0x2  }
0x20e: {  	v3 =	vand.u32 $0x7, v3;
	v4 =	vand.u32 $0xFFFFFFE0, v57  }
0x20f: {  	v3 =	vor.u32 v3, v4  }
0x210: {  	v4 =	vperm.xlane v3, v0;
	_ =	sdelay $0x1  }
0x211: {  	v4 =	vadd.s32 v1, v4;
	_ =	sdelay $0x1  }
0x212: {  	v3 =	vperm.xlane v3, v2;
	_ =	sdelay $0x1  }
0x213: {  	s23 =	simm.s32 $0xC680;
	v3 =	vadd.s32 v1, v3  }
0x214: {  	[tilespmem:s23], [sflag:$0x1] =	stream.indirect_vreg.gather [hbm4b:s3+s5], $0x80, v4, vm0, $0xb8;
	[tilespmem:$0x19680] =	vst v63  }
0x215: {  	s23 =	simm.s32 $0xCE80  }
0x216: {  	[tilespmem:s23], [sflag:$0x1] =	stream.indirect_vreg.gather [hbm4b:s11+s5], $0x80, v4, vm0, $0xb8;
	[tilespmem:$0x19680] =	vst v63  }
0x217: {  	s23 =	simm.s32 $0xD680  }
0x218: {  	[tilespmem:s23], [sflag:$0x1] =	stream.indirect_vreg.gather [hbm4b:s3+s5], $0x80, v3, vm0, $0xb8;
	[tilespmem:$0x19680] =	vst v63  }
0x219: {  	s23 =	simm.s32 $0xDE80  }
0x21a: {  	[tilespmem:s23], [sflag:$0x1] =	stream.indirect_vreg.gather [hbm4b:s11+s5], $0x80, v3, vm0, $0xb8;
	[tilespmem:$0x19680] =	vst v63  }
0x21b: {  	v3 =	vld [tilespmem:s22+$0x10];
	_ =	sdelay $0x4  }
0x21c: {  	v58 =	vshll.u32 v3, $0x2  }
0x21d: {  	v3 =	vand.u32 $0x7, v3;
	v4 =	vand.u32 $0xFFFFFFE0, v58  }
0x21e: {  	v3 =	vor.u32 v3, v4  }
0x21f: {  	v4 =	vperm.xlane v3, v0;
	_ =	sdelay $0x1  }
0x220: {  	v4 =	vadd.s32 v1, v4;
	_ =	sdelay $0x1  }
0x221: {  	v3 =	vperm.xlane v3, v2;
	_ =	sdelay $0x1  }
0x222: {  	s23 =	simm.s32 $0xE680;
	v3 =	vadd.s32 v1, v3  }
0x223: {  	[tilespmem:s23], [sflag:$0x1] =	stream.indirect_vreg.gather [hbm4b:s3+s5], $0x80, v4, vm0, $0xb8;
	[tilespmem:$0x19680] =	vst v63  }
0x224: {  	s23 =	simm.s32 $0xEE80  }
0x225: {  	[tilespmem:s23], [sflag:$0x1] =	stream.indirect_vreg.gather [hbm4b:s11+s5], $0x80, v4, vm0, $0xb8;
	[tilespmem:$0x19680] =	vst v63  }
0x226: {  	s23 =	simm.s32 $0xF680  }
0x227: {  	[tilespmem:s23], [sflag:$0x1] =	stream.indirect_vreg.gather [hbm4b:s3+s5], $0x80, v3, vm0, $0xb8;
	[tilespmem:$0x19680] =	vst v63  }
0x228: {  	s23 =	simm.s32 $0xFE80  }
0x229: {  	[tilespmem:s23], [sflag:$0x1] =	stream.indirect_vreg.gather [hbm4b:s11+s5], $0x80, v3, vm0, $0xb8;
	[tilespmem:$0x19680] =	vst v63  }
0x22a: {  	v3 =	vld [tilespmem:s22+$0x20];
	_ =	sdelay $0x4  }
0x22b: {  	v59 =	vshll.u32 v3, $0x2  }
0x22c: {  	v3 =	vand.u32 $0x7, v3;
	v4 =	vand.u32 $0xFFFFFFE0, v59  }
0x22d: {  	v3 =	vor.u32 v3, v4  }
0x22e: {  	v4 =	vperm.xlane v3, v0;
	_ =	sdelay $0x1  }
0x22f: {  	v4 =	vadd.s32 v1, v4;
	_ =	sdelay $0x1  }
0x230: {  	v3 =	vperm.xlane v3, v2;
	_ =	sdelay $0x1  }
0x231: {  	v3 =	vadd.s32 v1, v3  }
0x232: {  	[tilespmem:s12], [sflag:$0x1] =	stream.indirect_vreg.gather [hbm4b:s3+s5], $0x80, v4, vm0, $0xb8;
	[tilespmem:$0x19680] =	vst v63  }
0x233: {  	_ = 	snop  }
0x234: {  	[tilespmem:s15], [sflag:$0x1] =	stream.indirect_vreg.gather [hbm4b:s11+s5], $0x80, v4, vm0, $0xb8;
	[tilespmem:$0x19680] =	vst v63  }
0x235: {  	_ = 	snop  }
0x236: {  	[tilespmem:s16], [sflag:$0x1] =	stream.indirect_vreg.gather [hbm4b:s3+s5], $0x80, v3, vm0, $0xb8;
	[tilespmem:$0x19680] =	vst v63  }
0x237: {  	_ = 	snop  }
0x238: {  	[tilespmem:s17], [sflag:$0x1] =	stream.indirect_vreg.gather [hbm4b:s11+s5], $0x80, v3, vm0, $0xb8;
	[tilespmem:$0x19680] =	vst v63  }
0x239: {  	v3 =	vld [tilespmem:s22+$0x30];
	_ =	sdelay $0x4  }
0x23a: {  	v60 =	vshll.u32 v3, $0x2  }
0x23b: {  	v3 =	vand.u32 $0x7, v3;
	v4 =	vand.u32 $0xFFFFFFE0, v60  }
0x23c: {  	v3 =	vor.u32 v3, v4  }
0x23d: {  	v4 =	vperm.xlane v3, v0;
	_ =	sdelay $0x1  }
0x23e: {  	v4 =	vadd.s32 v1, v4;
	_ =	sdelay $0x1  }
0x23f: {  	v3 =	vperm.xlane v3, v2;
	_ =	sdelay $0x1  }
0x240: {  	v3 =	vadd.s32 v1, v3  }
0x241: {  	[tilespmem:s18], [sflag:$0x1] =	stream.indirect_vreg.gather [hbm4b:s3+s5], $0x80, v4, vm0, $0xb8;
	[tilespmem:$0x19680] =	vst v63  }
0x242: {  	_ = 	snop  }
0x243: {  	[tilespmem:s19], [sflag:$0x1] =	stream.indirect_vreg.gather [hbm4b:s11+s5], $0x80, v4, vm0, $0xb8;
	[tilespmem:$0x19680] =	vst v63  }
0x244: {  	_ = 	snop  }
0x245: {  	[tilespmem:s24], [sflag:$0x1] =	stream.indirect_vreg.gather [hbm4b:s3+s5], $0x80, v3, vm0, $0xb8;
	[tilespmem:$0x19680] =	vst v63  }
0x246: {  	_ = 	snop  }
0x247: {  	[tilespmem:s25], [sflag:$0x1] =	stream.indirect_vreg.gather [hbm4b:s11+s5], $0x80, v3, vm0, $0xb8;
	[tilespmem:$0x19680] =	vst v63  }
0x248: {  	v3 =	vld [tilespmem:s22+$0x40];
	_ =	sdelay $0x4  }
0x249: {  	v61 =	vshll.u32 v3, $0x2  }
0x24a: {  	v3 =	vand.u32 $0x7, v3;
	v4 =	vand.u32 $0xFFFFFFE0, v61  }
0x24b: {  	v3 =	vor.u32 v3, v4  }
0x24c: {  	v4 =	vperm.xlane v3, v0;
	_ =	sdelay $0x1  }
0x24d: {  	v4 =	vadd.s32 v1, v4;
	_ =	sdelay $0x1  }
0x24e: {  	v3 =	vperm.xlane v3, v2;
	_ =	sdelay $0x1  }
0x24f: {  	v3 =	vadd.s32 v1, v3  }
0x250: {  	[tilespmem:s26], [sflag:$0x1] =	stream.indirect_vreg.gather [hbm4b:s3+s5], $0x80, v4, vm0, $0xb8;
	[tilespmem:$0x19680] =	vst v63  }
0x251: {  	_ = 	snop  }
0x252: {  	[tilespmem:s28], [sflag:$0x1] =	stream.indirect_vreg.gather [hbm4b:s11+s5], $0x80, v4, vm0, $0xb8;
	[tilespmem:$0x19680] =	vst v63  }
0x253: {  	_ = 	snop  }
0x254: {  	[tilespmem:s29], [sflag:$0x1] =	stream.indirect_vreg.gather [hbm4b:s3+s5], $0x80, v3, vm0, $0xb8;
	[tilespmem:$0x19680] =	vst v63  }
0x255: {  	_ = 	snop  }
0x256: {  	[tilespmem:s30], [sflag:$0x1] =	stream.indirect_vreg.gather [hbm4b:s11+s5], $0x80, v3, vm0, $0xb8;
	[tilespmem:$0x19680] =	vst v63  }
0x257: {  	v3 =	vld [tilespmem:s22+$0x50];
	_ =	sdelay $0x4  }
0x258: {  	v62 =	vshll.u32 v3, $0x2  }
0x259: {  	v3 =	vand.u32 $0x7, v3;
	v4 =	vand.u32 $0xFFFFFFE0, v62  }
0x25a: {  	v3 =	vor.u32 v3, v4  }
0x25b: {  	v4 =	vperm.xlane v3, v0;
	_ =	sdelay $0x1  }
0x25c: {  	v4 =	vadd.s32 v1, v4;
	_ =	sdelay $0x1  }
0x25d: {  	v3 =	vperm.xlane v3, v2;
	_ =	sdelay $0x1  }
0x25e: {  	v3 =	vadd.s32 v1, v3  }
0x25f: {  	[tilespmem:s31], [sflag:$0x1] =	stream.indirect_vreg.gather [hbm4b:s3+s5], $0x80, v4, vm0, $0xb8;
	[tilespmem:$0x19680] =	vst v63  }
0x260: {  	_ = 	snop  }
0x261: {  	[tilespmem:s4], [sflag:$0x1] =	stream.indirect_vreg.gather [hbm4b:s11+s5], $0x80, v4, vm0, $0xb8;
	[tilespmem:$0x19680] =	vst v63  }
0x262: {  	_ = 	snop  }
0x263: {  	[tilespmem:s2], [sflag:$0x1] =	stream.indirect_vreg.gather [hbm4b:s3+s5], $0x80, v3, vm0, $0xb8;
	[tilespmem:$0x19680] =	vst v63  }
0x264: {  	_ = 	snop  }
0x265: {  	[tilespmem:s6], [sflag:$0x1] =	stream.indirect_vreg.gather [hbm4b:s11+s5], $0x80, v3, vm0, $0xb8;
	[tilespmem:$0x19680] =	vst v63  }
0x266: {  	v3 =	vld.msk [tilespmem:s22+$0x60], $0xff;
	_ =	sdelay $0x4  }
0x267: {  	v63 =	vshll.u32 v3, $0x2  }
0x268: {  	v3 =	vand.u32 $0x7, v3;
	v4 =	vand.u32 $0xFFFFFFE0, v63  }
0x269: {  	v3 =	vor.u32 v3, v4  }
0x26a: {  	v3 =	vperm.xlane v3, v0;
	_ =	sdelay $0x1  }
0x26b: {  	v3 =	vadd.s32 v1, v3;
	_ =	sdelay $0x4  }
0x26c: {  	[tilespmem:s8], [sflag:$0x1] =	stream.indirect_vreg.gather [hbm4b:s3+s5], $0x80, v3, vm0, $0xb8;
	[tilespmem:$0x19680] =	vst v63  }
0x26d: {  	_ = 	snop  }
0x26e: {  	[tilespmem:s10], [sflag:$0x1] =	stream.indirect_vreg.gather [hbm4b:s11+s5], $0x80, v3, vm0, $0xb8;
	[tilespmem:$0x19680] =	vst v63  }
0x26f: {  	_ =	swait.ge [sflag:s20], $0x19000  }
0x270: {  	p0 =	sne.s32 s21, $0x15E00;
	s23 =	rddreg [dreg:$0xa];
	[sflag:s20] =	ssyncset.done $0x0  }
.Ltmp2:
0x271: {  	[sflag:s20] =	ssyncadd.s32 $0xFFFE7000;
	s23 =	sadd.s32 s21, s23;
	(pc) =	sbr.rel @p0 .LBB2_6-.Ltmp2, $4  }
0x272: {  	[hbm4b:s23+s5] =	stream.linear.scatter [tilespmem:s14], [sflag:$0x2], $0x19000, $0x38;
	[tilespmem:$0x19680] =	vst v63  }
0x273: {  	_ =	swait.ge [sflag:s13], $0x19000  }
0x274: {  	s22 =	sadd.s32 $0xC8, s22;
	[sflag:s13] =	ssyncset.done $0x0  }
0x275: {  	s21 =	sadd.s32 $0x3200, s21;
	s23 =	simm.s32 $0xE80;
	[sflag:s13] =	ssyncadd.s32 $0xFFFE7000  }
0x276: {  	s2 =	rddreg [dreg:$0xf]  }
0x277: {  	s21 =	rddreg [dreg:$0xe];
	s2 =	sadd.s32 $0x1, s2  }
0x278: {  	p0 =	sne.s32 s2, s21  }
.Ltmp3:
0x279: {  	_ = 	snop;
	(pc) =	sbr.rel @p0 .LBB2_1-.Ltmp3, $1  }
0x27a: {  	_ =	sdelay $0x3  }
0x27b: {  	_ =	sfence.sel $0x180000  }
0x27c: {  	[bflag:$0x0] =	sbarrier.arrive $0xFFFF  }
0x27d: {  	_ =	strace $0x90000047  }
0x27e: {  	s0 =	stileid.u32;
	[bflag:$0x2] =	sbarrier.arrive $0xFFFF  }
0x27f: {  	p0 =	sne.s32 s0, $0x0;
	s0 =	rddreg [dreg:$0x7]  }
0x280: {  	s0 =	sadd.s32 @!p0 $0x100000, s0  }
0x281: {  	[sflag:s0] =	ssyncadd.tile.s32 @!p0 $0x1;
	_ =	shalt  }
.Lfunc_end2:
_tile_overlayer_lowered:
.L_overlay_start_2:
0x282: {  	(tag) =	ssettag $0x2  }
0x283: {  	s0 =	rddreg [dreg:$0x0];
	s2 =	stileid.u32  }
0x284: {  	s1 =	rddreg [dreg:$0x1];
	p0 =	sne.s32 s2, $0x0  }
0x285: {  	s3 =	rddreg [dreg:$0x2];
	[bflag:$0x3] =	sbarrier.arrive $0xFFFF;
	s2 =	simm.s32 @!p0 $0x1C02  }
0x286: {  	[timem:s3], [sflag:s2] =	dma.local @!p0 [hbm:s0], s1  }
0x287: {  	s0 =	simm.s32 @!p0 $0x2  }
0x288: {  	_ =	swait.ge @!p0 [sflag:s0], s1  }
0x289: {  	s1 =	ssub.s32 @!p0 $0x0, s1;
	[sflag:s0] =	ssyncset.done @!p0 $0x0  }
0x28a: {  	[sflag:s0] =	ssyncadd.s32 @!p0 s1  }
0x28b: {  	[bflag:$0x3] =	sbarrier.arrive $0xFFFF  }
0x28c: {  	_ =	shalt  }

// kernel: sparse-core-data-format-call.1.cloned.1.call-start
scs
called_computation.1_lowered:
.L_overlay_start_0:
0x0: {  	s2 =	sld [smem:$0x3FD9]  }
0x1: {  	s3 =	sld [smem:$0x3FFE];
	_ =	sdelay $0x1  }
0x2: {  	s1 =	srdreg.scid  }
0x3: {  	s0 =	sand.u32 $0x1, s1  }
0x4: {  	s16 =	sshll.u32 s0, $0xA;
	s2 =	sadd.s32 s3, s2  }
0x5: {  	s2 =	sadd.s32 s2, s16  }
0x6: {  	[smem:$0x3FAF] =	sst s2  }
0x7: {  	_ = 	snop  }
0x8: {  	s2 =	sld [smem:$0x3FD0];
	_ =	sdelay $0x2  }
0x9: {  	s17 =	simm.s32 $0xC;
	s4 =	simm.s32 $0x10  }
0xa: {  	[smem:s4], [sflag:s17] =	dma.local [hbm:s2], $0x1  }
0xb: {  	_ =	swait.eq [sflag:s17], $0x1  }
0xc: {  	[sflag:s17] =	ssyncset.done $0x0  }
0xd: {  	[sflag:s17] =	ssyncadd.s32 $0xFFFFFFFF  }
0xe: {  	s18 =	sld [smem:$0x12];
	(tm) =	ssettm $0x1  }
0xf: {  	s19 =	sld [smem:$0x3FFB];
	_ =	sdelay $0x3  }
0x10: {  	_ =	strace s19  }
0x11: {  	s2 =	sld [smem:$0x3FFC];
	_ =	sdelay $0x3  }
0x12: {  	_ =	strace s2  }
0x13: {  	s2 =	sld [smem:$0x3FFD];
	_ =	sdelay $0x3  }
0x14: {  	_ =	strace s2  }
0x15: {  	_ =	strace $0x8FFFFFFF  }
0x16: {  	s20 =	sld [smem:$0x3FDB];
	_ =	sdelay $0x1  }
0x17: {  	s21 =	simm.s32 $_scs_section_size  }
0x18: {  	s5 =	simm.s32 $_size__tile_overlayer_lowered;
	s6 =	simm.s32 $_tile_overlayer_lowered  }
0x19: {  	s7 =	simm.s32 $0x1BFF;
	s22 =	sshll.u32 s6, $0x1;
	s4 =	sadd.s32 s21, s20  }
0x1a: {  	s23 =	simm.s32 $0x0;
	s5 =	sshll.u32 s5, $0x1;
	s6 =	sadd.s32 s22, s4  }
0x1b: {  	[timem:s23], [sflag:s7] =	dma.local [hbm:s6], s5  }
0x1c: {  	_ =	swait.ge [sflag:s7], s5  }
0x1d: {  	s5 =	ssub.s32 $0x0, s5;
	[sflag:s7] =	ssyncset.done $0x0  }
0x1e: {  	[sflag:s7] =	ssyncadd.s32 s5;
	_ =	sdelay $0x1  }
0x1f: {  	s24 =	simm.s32 $0x1B8B  }
0x20: {  	_ =	swait.ge [sflag:s24], $0x1  }
0x21: {  	[sflag:s24] =	ssyncset.done $0x0  }
0x22: {  	[sflag:s24] =	ssyncadd.s32 $0xFFFFFFFF  }
0x23: {  	s5 =	sld [smem:$0x0]  }
0x24: {  	s6 =	sand.u32 $0xFFFFFFFE, s1  }
0x25: {  	p0 =	sne.s32 s1, s6  }
0x26: {  	s6 =	sshll.u32 @p0 s6, $0xE  }
0x27: {  	s6 =	sadd.s32 @p0 $0x11B8D, s6;
	s7 =	sshll.u32 @p0 s5, $0x11  }
0x28: {  	s6 =	sor.u32 @p0 s7, s6  }
0x29: {  	[sflag:s6] =	ssyncadd.remote.s32 @p0 $0x1;
	_ =	sdelay $0x1  }
0x2a: {  	s6 =	simm.s32 @p0 $0x1B8D  }
0x2b: {  	_ =	swait.eq @p0 [sflag:s6], $0x1  }
0x2c: {  	[sflag:s6] =	ssyncadd.s32 @p0 $0xFFFFFFFF  }
0x2d: {  	s7 =	sshll.u32 @!p0 s1, $0xE  }
0x2e: {  	s7 =	sor.u32 @!p0 $0x4000, s7;
	s6 =	simm.s32 @!p0 $0x1B8D  }
0x2f: {  	s5 =	sshll.u32 @!p0 s5, $0x11;
	s7 =	sadd.s32 @!p0 $0x11B8D, s7;
	_ =	swait.eq @!p0 [sflag:s6], $0x1  }
0x30: {  	s5 =	sor.u32 @!p0 s5, s7;
	[sflag:s6] =	ssyncadd.s32 @!p0 $0xFFFFFFFF  }
0x31: {  	s26 =	simm.s32 $0x1B8E;
	s25 =	sld [smem:$0x3FFE];
	[sflag:s5] =	ssyncadd.remote.s32 @!p0 $0x1  }
0x32: {  	s27 =	simm.s32 $execute0_lowered;
	[smem:$0x3FD2] =	sst s26  }
0x33: {  	s6 =	sshll.u32 s27, $0x1;
	_ =	strace $0x8000004C;
	[dreg:$0x1] =	wrdreg $0xFFFFFFFF  }
0x34: {  	s28 =	simm.s32 $_size_execute0_lowered;
	s4 =	sadd.s32 s4, s6;
	[dreg:$0x0] =	wrdreg $0x0  }
0x35: {  	s6 =	sshll.u32 s28, $0x1;
	[dreg:$0x2] =	wrdreg s4  }
0x36: {  	[dreg:$0x3] =	wrdreg s6  }
0x37: {  	[dreg:$0x4] =	wrdreg $0xC0  }
0x38: {  	_ =	task [dreg:s23], $0x5FFFF  }
0x39: {  	[dreg:$0x1] =	wrdreg $0xFFFFFFFF  }
0x3a: {  	[dreg:$0x0] =	wrdreg $0x60  }
0x3b: {  	[dreg:$0x2] =	wrdreg s25  }
0x3c: {  	[dreg:$0x3] =	wrdreg s18  }
0x3d: {  	[dreg:$0x4] =	wrdreg $0xA  }
0x3e: {  	_ =	task.clear_ibuf [dreg:s23], $0x5FFFF;
	_ =	strace $0x9000004C  }
0x3f: {  	s29 =	simm.s32 $0xA;
	_ =	strace $0x8000004E  }
0x40: {  	_ =	swait.ge [sflag:s29], $0x1  }
0x41: {  	[sflag:s29] =	ssyncadd.s32 $0xFFFFFFFF  }
0x42: {  	_ =	strace $0x9000004E  }
0x43: {  	_ =	sfence  }
0x44: {  	s30 =	sld [smem:$0x0];
	_ =	sdelay $0x2  }
0x45: {  	s31 =	sshll.u32 s1, $0xD;
	s1 =	sshrl.u32 s1, $0x2  }
0x46: {  	s4 =	sand.u32 $0x4000, s31;
	s1 =	sadd.s32 s1, s30  }
0x47: {  	s0 =	sor.u32 s4, s0;
	s1 =	sshll.u32 s1, $0x11  }
0x48: {  	s0 =	sor.u32 s1, s0  }
0x49: {  	s0 =	sadd.s32 $0x8F2B, s0  }
0x4a: {  	[sflag:s0] =	ssyncadd.remote.s32 $0x1  }
0x4b: {  	_ =	sfence.sel $0xFFFF  }
0x4c: {  	[dreg:$0x0] =	wrdreg $0xFFFFFFFF;
	(pc) =	sbr.abs _section_cstart, $3  }
0x4d: {  	[dreg:$0x1] =	wrdreg $0xFFFFFFFF  }
0x4e: {  	_ =	task.clear_ibuf [dreg:s23], $0x2FFFF;
	_ =	strace $0x9FFFFFFF  }
0x4f: {  	(tm) =	ssettm $0x7FFFFFFF  }
tec
execute0_lowered:
.L_overlay_start_1:
0x0: {  	(tag) =	ssettag $0x1  }
0x1: {  	s0 =	srdreg.scid  }
0x2: {  	s1 =	sshll.u32 s0, $0x4  }
0x3: {  	s8 =	rddreg [dreg:$0x0];
	s0 =	stileid.u32;
	s1 =	sand.u32 $0x10, s1  }
0x4: {  	s3 =	rddreg [dreg:$0x1];
	s29 =	sshll.u32 s0, $0x7;
	s7 =	sor.u32 s0, s1  }
0x5: {  	s30 =	simm.s32 $0x2;
	s1 =	sand.u32 $0x380, s29;
	s2 =	sshll.u32 s7, $0x4  }
0x6: {  	s18 =	simm.s32 $0x0;
	s4 =	ssub.s32 $0x400, s1;
	s2 =	sand.u32 $0x180, s2  }
0x7: {  	s11 =	simm.s32 $0x1000;
	s5 =	sand.u32 $0x380, s4;
	s6 =	ssub.s32 $0x200, s2  }
0x8: {  	p0 =	sne.s32 s5, $0x0;
	s5 =	simm.s32 $0x1;
	s9 =	sand.u32 $0x180, s6  }
0x9: {  	s5 =	simm.s32 @!p0 $0x0;
	p0 =	sne.s32 s9, $0x0;
	s9 =	simm.s32 $0x1  }
0xa: {  	s10 =	sshrl.u32 s4, $0xA;
	s6 =	sshrl.u32 s6, $0x9;
	s9 =	simm.s32 @!p0 $0x0  }
0xb: {  	s12 =	simm.s32 $0x0;
	s10 =	sadd.s32 s5, s10;
	s6 =	sadd.s32 s9, s6  }
0xc: {  	s16 =	simm.s32 $0x0;
	s17 =	simm.s32 $0x0;
	s6 =	smul.u32 s6, s10  }
.Ltmp0:
0xd: {  	s13 =	simm.s32 $0x0;
	s15 =	simm.s32 $0x0;
	(pc) =	sbr.rel .LBB1_1-.Ltmp0, $4  }
0xe: {  	s31 =	sshll.u32 s7, $0x7;
	s7 =	sadd.s32 $0x384400, s8;
	s4 =	rddreg [dreg:$0x2]  }
0xf: {  	_ =	strace $0x8000004D;
	s5 =	simm.s32 $0x1;
	s6 =	smul.u32 $0x32, s6  }
0x10: {  	s14 =	smov.u32 s1;
	s8 =	sand.u32 $0xC00, s31;
	[sflag:s5] =	ssyncpa.u1 $0x0  }
0x11: {  	[sflag:s30] =	ssyncpa.u1 $0x0;
	s10 =	simm.s32 $0x400;
	s9 =	sor.u32 $0x1, s6  }
.LBB1_4:
0x12: {  	_ =	sdelay $0x3  }
0x13: {  	[tilespmem:v0+s21+$0xFFFFFFD0 ss:$0x1] =	vst.idx.msk $0xffff, v6  }
0x14: {  	v56 =	vld.idx.msk [tilespmem:v1+s20+$0x0 ss:$0x1], $0xffff;
	[tilespmem:v0+s21+$0xFFFFFFE0 ss:$0x1] =	vst.idx.msk $0xffff, v4  }
0x15: {  	v57 =	vld.idx.msk [tilespmem:v1+s20+$0xFFFFFF90 ss:$0x1], $0xffff;
	[tilespmem:v0+s21+$0xFFFFFFF0 ss:$0x1] =	vst.idx.msk $0xffff, v2  }
0x16: {  	v58 =	vld.idx.msk [tilespmem:v1+s20+$0xFFFFFFA0 ss:$0x1], $0xffff;
	[tilespmem:v0+s21+$0x0 ss:$0x1] =	vst.idx.msk $0xffff, v3  }
0x17: {  	v59 =	vld.idx.msk [tilespmem:v1+s20+$0xFFFFFFB0 ss:$0x1], $0xffff;
	[tilespmem:v0+s21+$0x10 ss:$0x1] =	vst.idx.msk $0xffff, v5  }
0x18: {  	v60 =	vld.idx.msk [tilespmem:v1+s20+$0xFFFFFFC0 ss:$0x1], $0xffff;
	[tilespmem:v0+s21+$0x20 ss:$0x1] =	vst.idx.msk $0xffff, v7  }
0x19: {  	v61 =	vld.idx.msk [tilespmem:v1+s20+$0xFFFFFFD0 ss:$0x1], $0xffff;
	[tilespmem:v0+s20+$0x30 ss:$0x1] =	vst.idx.msk $0xffff, v56  }
0x1a: {  	v62 =	vld.idx.msk [tilespmem:v1+s20+$0xFFFFFFE0 ss:$0x1], $0xffff;
	s29 =	sshll.u32 s17, $0x9;
	[tilespmem:v0+s20+$0xFFFFFFC0 ss:$0x1] =	vst.idx.msk $0xffff, v57  }
0x1b: {  	v63 =	vld.idx.msk [tilespmem:v1+s20+$0xFFFFFFF0 ss:$0x1], $0xffff;
	s18 =	sshll.u32 s18, $0x3;
	s22 =	sshll.u32 s17, $0x7;
	s21 =	sand.u32 $0x7F000, s29;
	[tilespmem:v0+s20+$0xFFFFFFD0 ss:$0x1] =	vst.idx.msk $0xffff, v58  }
0x1c: {  	s30 =	sand.u32 $0x200, s22;
	s18 =	sor.u32 s21, s18;
	[tilespmem:v0+s20+$0xFFFFFFE0 ss:$0x1] =	vst.idx.msk $0xffff, v59  }
0x1d: {  	s16 =	sshll.u32 s16, $0x10;
	s31 =	sshll.u32 s17, $0x4;
	s18 =	sor.u32 s30, s18;
	[tilespmem:v0+s20+$0xFFFFFFF0 ss:$0x1] =	vst.idx.msk $0xffff, v60  }
0x1e: {  	s17 =	sand.u32 $0x30, s31;
	s16 =	sadd.s32 s3, s16;
	s18 =	sshrl.u32 s18, $0x3;
	[tilespmem:v0+s20+$0x0 ss:$0x1] =	vst.idx.msk $0xffff, v61  }
0x1f: {  	s16 =	sadd.s32 s17, s16;
	[tilespmem:v0+s20+$0x10 ss:$0x1] =	vst.idx.msk $0xffff, v62;
	s18 =	sand.u32 $0xFFC0, s18  }
0x20: {  	[tilespmem:v0+s20+$0x20 ss:$0x1] =	vst.idx.msk $0xffff, v63;
	s16 =	sadd.s32 s18, s16  }
0x21: {  	[hbm4b:s16+s10] =	stream.strided.scatter [tilespmem:s19], [sflag:$0x2], $0x4000, s11, s10, $0x38;
	[tilespmem:$0x10000] =	vst v63  }
.LBB1_5:
0x22: {  	s19 =	sadd.s32 $0x1, s13  }
0x23: {  	s16 =	sadd.s32 $0x400, s14;
	s20 =	smov.u32 s14;
	p1 =	sgt.s32 s19, $0x31  }
0x24: {  	s20 =	smov.u32 @p1 s16  }
0x25: {  	s19 =	simm.s32 @p1 $0x0;
	p1 =	sgt.s32 s20, $0x3FF  }
0x26: {  	s20 =	smov.u32 @p1 s1;
	p1 =	sne.s32 s15, s9  }
.Ltmp1:
0x27: {  	p0 =	slt.u32 s15, $0x2;
	(pc) =	sbr.rel @!p1 .LBB1_6-.Ltmp1, $4  }
0x28: {  	s17 =	smov.u32 s14;
	s18 =	simm.s32 @!p0 $0x2  }
0x29: {  	s12 =	sadd.s32 $0x4000, s12;
	_ =	swait.ge @!p0 [sflag:s18], $0x4000;
	s16 =	smov.u32 s13  }
0x2a: {  	[sflag:s18] =	ssyncset.done @!p0 $0x0;
	s13 =	smov.u32 s19;
	s15 =	sadd.s32 $0x1, s15  }
0x2b: {  	[sflag:s18] =	ssyncadd.s32 @!p0 $0xFFFFC000;
	s18 =	smov.u32 s2;
	s14 =	smov.u32 s20  }
.LBB1_1:
0x2c: {  	p0 =	sge.u32 s15, s6  }
0x2d: {  	s19 =	sshll.u32 @!p0 s13, $0x9  }
0x2e: {  	s20 =	sshll.u32 @!p0 s13, $0x7;
	s19 =	sand.u32 @!p0 $0xFFFFF000, s19  }
0x2f: {  	s20 =	sand.u32 @!p0 $0x200, s20;
	s19 =	sor.u32 @!p0 s8, s19  }
0x30: {  	s19 =	sor.u32 @!p0 s20, s19  }
0x31: {  	s19 =	sshrl.u32 @!p0 s19, $0x9  }
0x32: {  	s20 =	smulhi.u32 @!p0 $0x4924925, s19;
	_ =	sdelay $0x1  }
0x33: {  	s20 =	smul.u32 @!p0 $0x38, s20  }
0x34: {  	s31 =	sadd.s32 $0xFFFFFFFF, s15;
	s21 =	smul.u32 @!p0 $0xE00, s14  }
0x35: {  	s22 =	sxor.u32 @!p0 $0xFFFFFFFF, s15;
	s19 =	ssub.s32 @!p0 s19, s20;
	s20 =	sshll.u32 @!p0 s13, $0x4  }
0x36: {  	s22 =	sshll.u32 @!p0 s22, $0xE;
	s21 =	sadd.s32 @!p0 s7, s21;
	s20 =	sand.u32 @!p0 $0x30, s20  }
0x37: {  	s22 =	sand.u32 @!p0 $0x4000, s22;
	s19 =	sshll.u32 @!p0 s19, $0x6;
	s20 =	sadd.s32 @!p0 s20, s21  }
0x38: {  	s21 =	simm.s32 @!p0 $0x7000;
	s19 =	sadd.s32 @!p0 s19, s20;
	s20 =	simm.s32 @!p0 $0x80  }
0x39: {  	[tilespmem:s22], [sflag:$0x1] =	stream.strided.gather @!p0 [hbm4b:s19+s20], $0x4000, s21, s20, $0x38;
	[tilespmem:$0x10000] =	vst v63  }
0x3a: {  	p0 =	sge.u32 s31, s6  }
.Ltmp2:
0x3b: {  	_ = 	snop;
	(pc) =	sbr.rel @p0 .LBB1_5-.Ltmp2, $1  }
0x3c: {  	_ =	sdelay $0x3  }
0x3d: {  	s19 =	sand.u32 $0x4000, s12  }
0x3e: {  	s20 =	sor.u32 $0x70, s19  }
0x3f: {  	v1 =	vmov s20;
	_ =	sdelay $0x1  }
0x40: {  	_ =	swait.ge [sflag:s5], $0x4000  }
0x41: {  	[sflag:s5] =	ssyncset.done $0x0  }
0x42: {  	s21 =	simm.s32 $0x0;
	[sflag:s5] =	ssyncadd.s32 $0xFFFFC000  }
0x43: {  	s19 =	sor.u32 $0x8040, s19;
	v7 =	vld.idx.msk [tilespmem:v1+s21+$0x0 ss:$0x1], $0xffff  }
0x44: {  	v0 =	vmov s19;
	v8 =	vld.idx.msk [tilespmem:v1+s21+$0xFFFFFF90 ss:$0x1], $0xffff  }
0x45: {  	v6 =	vld.idx.msk [tilespmem:v1+s21+$0xFFFFFFA0 ss:$0x1], $0xffff  }
0x46: {  	v4 =	vld.idx.msk [tilespmem:v1+s21+$0xFFFFFFB0 ss:$0x1], $0xffff  }
0x47: {  	v2 =	vld.idx.msk [tilespmem:v1+s21+$0xFFFFFFC0 ss:$0x1], $0xffff  }
0x48: {  	s31 =	sshll.u32 s15, $0xE;
	v3 =	vld.idx.msk [tilespmem:v1+s21+$0xFFFFFFD0 ss:$0x1], $0xffff  }
0x49: {  	s19 =	sand.u32 $0x4000, s31;
	v5 =	vld.idx.msk [tilespmem:v1+s21+$0xFFFFFFE0 ss:$0x1], $0xffff;
	[tilespmem:v0+s21+$0x30 ss:$0x1] =	vst.idx.msk $0xffff, v7  }
0x4a: {  	s22 =	simm.s32 $0x400;
	s20 =	simm.s32 $0x80;
	s19 =	sor.u32 $0x8000, s19;
	[tilespmem:v0+s21+$0xFFFFFFC0 ss:$0x1] =	vst.idx.msk $0xffff, v8;
	v7 =	vld.idx.msk [tilespmem:v1+s21+$0xFFFFFFF0 ss:$0x1], $0xffff  }
.LBB1_3:
0x4b: {  	p0 =	sne.s32 s22, $0xFE00;
	v8 =	vld.idx.msk [tilespmem:v1+s20+$0x0 ss:$0x1], $0xffff;
	[tilespmem:v0+s21+$0xFFFFFFD0 ss:$0x1] =	vst.idx.msk $0xffff, v6  }
0x4c: {  	v9 =	vld.idx.msk [tilespmem:v1+s20+$0xFFFFFF90 ss:$0x1], $0xffff;
	[tilespmem:v0+s21+$0xFFFFFFE0 ss:$0x1] =	vst.idx.msk $0xffff, v4  }
0x4d: {  	v6 =	vld.idx.msk [tilespmem:v1+s20+$0xFFFFFFA0 ss:$0x1], $0xffff;
	[tilespmem:v0+s21+$0xFFFFFFF0 ss:$0x1] =	vst.idx.msk $0xffff, v2  }
.Ltmp3:
0x4e: {  	v4 =	vld.idx.msk [tilespmem:v1+s20+$0xFFFFFFB0 ss:$0x1], $0xffff;
	[tilespmem:v0+s21+$0x0 ss:$0x1] =	vst.idx.msk $0xffff, v3;
	(pc) =	sbr.rel @p0 .LBB1_3-.Ltmp3, $4  }
0x4f: {  	v2 =	vld.idx.msk [tilespmem:v1+s20+$0xFFFFFFC0 ss:$0x1], $0xffff;
	[tilespmem:v0+s21+$0x10 ss:$0x1] =	vst.idx.msk $0xffff, v5  }
0x50: {  	v3 =	vld.idx.msk [tilespmem:v1+s20+$0xFFFFFFD0 ss:$0x1], $0xffff;
	[tilespmem:v0+s21+$0x20 ss:$0x1] =	vst.idx.msk $0xffff, v7;
	s21 =	smov.u32 s20  }
0x51: {  	v5 =	vld.idx.msk [tilespmem:v1+s21+$0xFFFFFFE0 ss:$0x1], $0xffff;
	[tilespmem:v0+s21+$0x30 ss:$0x1] =	vst.idx.msk $0xffff, v8  }
0x52: {  	s20 =	sshra.s32 s22, $0x2;
	s22 =	sadd.s32 $0x200, s22;
	[tilespmem:v0+s21+$0xFFFFFFC0 ss:$0x1] =	vst.idx.msk $0xffff, v9;
	v7 =	vld.idx.msk [tilespmem:v1+s21+$0xFFFFFFF0 ss:$0x1], $0xffff  }
.Ltmp4:
0x53: {  	_ = 	snop;
	(pc) =	sbr.rel .LBB1_4-.Ltmp4, $1  }
0x54: {  	_ =	sdelay $0x3  }
.LBB1_6:
0x55: {  	_ =	sfence.sel $0x180000  }
0x56: {  	s1 =	simm.s32 $0x1;
	[bflag:$0x0] =	sbarrier.arrive $0xFFFF  }
0x57: {  	s31 =	simm.s32 $0x2;
	[sflag:s1] =	ssyncpa.u1 $0x1  }
0x58: {  	[sflag:s31] =	ssyncpa.u1 $0x1  }
0x59: {  	p0 =	sne.s32 s0, $0x0;
	_ =	strace $0x9000004D  }
0x5a: {  	s0 =	sadd.s32 @!p0 $0x100000, s4;
	[bflag:$0x2] =	sbarrier.arrive $0xFFFF  }
0x5b: {  	[sflag:s0] =	ssyncadd.tile.s32 @!p0 $0x1;
	_ =	shalt  }
.Lfunc_end1:
_tile_overlayer_lowered:
.L_overlay_start_2:
0x5c: {  	(tag) =	ssettag $0x2  }
0x5d: {  	s0 =	rddreg [dreg:$0x0];
	s2 =	stileid.u32  }
0x5e: {  	s1 =	rddreg [dreg:$0x1];
	p0 =	sne.s32 s2, $0x0  }
0x5f: {  	s3 =	rddreg [dreg:$0x2];
	[bflag:$0x3] =	sbarrier.arrive $0xFFFF;
	s2 =	simm.s32 @!p0 $0x1C01  }
0x60: {  	[timem:s3], [sflag:s2] =	dma.local @!p0 [hbm:s0], s1  }
0x61: {  	s0 =	simm.s32 @!p0 $0x1  }
0x62: {  	_ =	swait.ge @!p0 [sflag:s0], s1  }
0x63: {  	s1 =	ssub.s32 @!p0 $0x0, s1;
	[sflag:s0] =	ssyncset.done @!p0 $0x0  }
0x64: {  	[sflag:s0] =	ssyncadd.s32 @!p0 s1  }
0x65: {  	[bflag:$0x3] =	sbarrier.arrive $0xFFFF  }
0x66: {  	_ =	shalt  }

// kernel: sparse-core-data-format-call.2.cloned.1.call-start
scs
called_computation.2_lowered:
.L_overlay_start_0:
0x0: {  	s2 =	sld [smem:$0x3FD9]  }
0x1: {  	s3 =	sld [smem:$0x3FFE];
	_ =	sdelay $0x1  }
0x2: {  	s1 =	srdreg.scid  }
0x3: {  	s0 =	sand.u32 $0x1, s1  }
0x4: {  	s15 =	sshll.u32 s0, $0xA;
	s2 =	sadd.s32 s3, s2  }
0x5: {  	s2 =	sadd.s32 s2, s15  }
0x6: {  	[smem:$0x3FAF] =	sst s2  }
0x7: {  	_ = 	snop  }
0x8: {  	s2 =	sld [smem:$0x3FD0];
	_ =	sdelay $0x2  }
0x9: {  	s16 =	simm.s32 $0xC;
	s4 =	simm.s32 $0x10  }
0xa: {  	[smem:s4], [sflag:s16] =	dma.local [hbm:s2], $0x1  }
0xb: {  	_ =	swait.eq [sflag:s16], $0x1  }
0xc: {  	[sflag:s16] =	ssyncset.done $0x0  }
0xd: {  	[sflag:s16] =	ssyncadd.s32 $0xFFFFFFFF  }
0xe: {  	s17 =	sld [smem:$0x11];
	(tm) =	ssettm $0x1  }
0xf: {  	s18 =	sld [smem:$0x3FFB];
	_ =	sdelay $0x3  }
0x10: {  	_ =	strace s18  }
0x11: {  	s3 =	sld [smem:$0x3FFC];
	_ =	sdelay $0x3  }
0x12: {  	_ =	strace s3  }
0x13: {  	s3 =	sld [smem:$0x3FFD];
	_ =	sdelay $0x3  }
0x14: {  	_ =	strace s3  }
0x15: {  	_ =	strace $0x8FFFFFFF  }
0x16: {  	s19 =	sld [smem:$0x3FDB];
	_ =	sdelay $0x1  }
0x17: {  	s20 =	simm.s32 $_scs_section_size  }
0x18: {  	s5 =	simm.s32 $_size__tile_overlayer_lowered;
	s6 =	simm.s32 $_tile_overlayer_lowered  }
0x19: {  	s23 =	simm.s32 $0x1BFF;
	s22 =	sshll.u32 s6, $0x1;
	s3 =	sadd.s32 s20, s19  }
0x1a: {  	s7 =	simm.s32 $0x0;
	s21 =	sshll.u32 s5, $0x1;
	s5 =	sadd.s32 s22, s3  }
0x1b: {  	[timem:s7], [sflag:s23] =	dma.local [hbm:s5], s21  }
0x1c: {  	_ =	swait.ge [sflag:s23], s21  }
0x1d: {  	s4 =	ssub.s32 $0x0, s21;
	[sflag:s23] =	ssyncset.done $0x0  }
0x1e: {  	[sflag:s23] =	ssyncadd.s32 s4;
	_ =	sdelay $0x1  }
0x1f: {  	s24 =	simm.s32 $0x1B8B  }
0x20: {  	_ =	swait.ge [sflag:s24], $0x1  }
0x21: {  	[sflag:s24] =	ssyncset.done $0x0  }
0x22: {  	s26 =	simm.s32 $0x1B8E;
	s25 =	sld [smem:$0x3FFE];
	[sflag:s24] =	ssyncadd.s32 $0xFFFFFFFF  }
0x23: {  	s27 =	simm.s32 $execute0_lowered;
	[smem:$0x3FD2] =	sst s26  }
0x24: {  	s5 =	sshll.u32 s27, $0x1;
	_ =	strace $0x80000049;
	[dreg:$0x1] =	wrdreg $0xFFFFFFFF  }
0x25: {  	s28 =	simm.s32 $_size_execute0_lowered;
	s3 =	sadd.s32 s3, s5;
	[dreg:$0x0] =	wrdreg $0x0  }
0x26: {  	s5 =	sshll.u32 s28, $0x1;
	[dreg:$0x2] =	wrdreg s3  }
0x27: {  	[dreg:$0x3] =	wrdreg s5  }
0x28: {  	[dreg:$0x4] =	wrdreg $0xC0  }
0x29: {  	_ =	task [dreg:s7], $0x5FFFF  }
0x2a: {  	[dreg:$0x1] =	wrdreg $0xFFFFFFFF  }
0x2b: {  	[dreg:$0x0] =	wrdreg $0x60  }
0x2c: {  	[dreg:$0x2] =	wrdreg s25  }
0x2d: {  	[dreg:$0x3] =	wrdreg s17  }
0x2e: {  	[dreg:$0x4] =	wrdreg $0xB  }
0x2f: {  	_ =	task.clear_ibuf [dreg:s7], $0x5FFFF;
	_ =	strace $0x90000049  }
0x30: {  	s29 =	simm.s32 $0xB;
	_ =	strace $0x8000004B  }
0x31: {  	_ =	swait.ge [sflag:s29], $0x1  }
0x32: {  	[sflag:s29] =	ssyncadd.s32 $0xFFFFFFFF  }
0x33: {  	_ =	strace $0x9000004B  }
0x34: {  	_ =	sfence  }
0x35: {  	s30 =	sld [smem:$0x0];
	_ =	sdelay $0x2  }
0x36: {  	s31 =	sshll.u32 s1, $0xD;
	s1 =	sshrl.u32 s1, $0x2  }
0x37: {  	s3 =	sand.u32 $0x4000, s31;
	s1 =	sadd.s32 s1, s30  }
0x38: {  	s0 =	sor.u32 s3, s0;
	s1 =	sshll.u32 s1, $0x11  }
0x39: {  	s0 =	sor.u32 s1, s0  }
0x3a: {  	s0 =	sadd.s32 $0x8F2B, s0  }
0x3b: {  	[sflag:s0] =	ssyncadd.remote.s32 $0x1  }
0x3c: {  	_ =	sfence.sel $0xFFFF  }
0x3d: {  	[dreg:$0x0] =	wrdreg $0xFFFFFFFF;
	(pc) =	sbr.abs _section_cstart, $3  }
0x3e: {  	[dreg:$0x1] =	wrdreg $0xFFFFFFFF  }
0x3f: {  	_ =	task.clear_ibuf [dreg:s7], $0x2FFFF;
	_ =	strace $0x9FFFFFFF  }
0x40: {  	(tm) =	ssettm $0x7FFFFFFF  }
0x41: {  	_ =	shalt  }
tec
execute0_lowered:
.L_overlay_start_1:
0x0: {  	(tag) =	ssettag $0x1  }
0x1: {  	s0 =	srdreg.scid  }
0x2: {  	s1 =	sshll.u32 s0, $0x4  }
0x3: {  	s8 =	rddreg [dreg:$0x0];
	s0 =	stileid.u32;
	s1 =	sand.u32 $0x10, s1  }
0x4: {  	s3 =	rddreg [dreg:$0x1];
	s29 =	sshll.u32 s0, $0x7;
	s7 =	sor.u32 s0, s1  }
0x5: {  	s30 =	simm.s32 $0x2;
	s1 =	sand.u32 $0x380, s29;
	s2 =	sshll.u32 s7, $0x4  }
0x6: {  	s18 =	simm.s32 $0x0;
	s4 =	ssub.s32 $0x400, s1;
	s2 =	sand.u32 $0x180, s2  }
0x7: {  	s11 =	simm.s32 $0x1000;
	s5 =	sand.u32 $0x380, s4;
	s6 =	ssub.s32 $0x200, s2  }
0x8: {  	p0 =	sne.s32 s5, $0x0;
	s5 =	simm.s32 $0x1;
	s9 =	sand.u32 $0x180, s6  }
0x9: {  	s5 =	simm.s32 @!p0 $0x0;
	p0 =	sne.s32 s9, $0x0;
	s9 =	simm.s32 $0x1  }
0xa: {  	s10 =	sshrl.u32 s4, $0xA;
	s6 =	sshrl.u32 s6, $0x9;
	s9 =	simm.s32 @!p0 $0x0  }
0xb: {  	s12 =	simm.s32 $0x0;
	s10 =	sadd.s32 s5, s10;
	s6 =	sadd.s32 s9, s6  }
0xc: {  	s16 =	simm.s32 $0x0;
	s17 =	simm.s32 $0x0;
	s6 =	smul.u32 s6, s10  }
.Ltmp0:
0xd: {  	s13 =	simm.s32 $0x0;
	s15 =	simm.s32 $0x0;
	(pc) =	sbr.rel .LBB1_1-.Ltmp0, $4  }
0xe: {  	s31 =	sshll.u32 s7, $0x7;
	s7 =	sadd.s32 $0x4400, s8;
	s4 =	rddreg [dreg:$0x2]  }
0xf: {  	_ =	strace $0x8000004A;
	s5 =	simm.s32 $0x1;
	s6 =	smul.u32 $0x32, s6  }
0x10: {  	s14 =	smov.u32 s1;
	s8 =	sand.u32 $0xC00, s31;
	[sflag:s5] =	ssyncpa.u1 $0x0  }
0x11: {  	[sflag:s30] =	ssyncpa.u1 $0x0;
	s10 =	simm.s32 $0x400;
	s9 =	sor.u32 $0x1, s6  }
.LBB1_4:
0x12: {  	_ =	sdelay $0x3  }
0x13: {  	[tilespmem:v0+s21+$0xFFFFFFD0 ss:$0x1] =	vst.idx.msk $0xffff, v6  }
0x14: {  	v56 =	vld.idx.msk [tilespmem:v1+s20+$0x0 ss:$0x1], $0xffff;
	[tilespmem:v0+s21+$0xFFFFFFE0 ss:$0x1] =	vst.idx.msk $0xffff, v4  }
0x15: {  	v57 =	vld.idx.msk [tilespmem:v1+s20+$0xFFFFFF90 ss:$0x1], $0xffff;
	[tilespmem:v0+s21+$0xFFFFFFF0 ss:$0x1] =	vst.idx.msk $0xffff, v2  }
0x16: {  	v58 =	vld.idx.msk [tilespmem:v1+s20+$0xFFFFFFA0 ss:$0x1], $0xffff;
	[tilespmem:v0+s21+$0x0 ss:$0x1] =	vst.idx.msk $0xffff, v3  }
0x17: {  	v59 =	vld.idx.msk [tilespmem:v1+s20+$0xFFFFFFB0 ss:$0x1], $0xffff;
	[tilespmem:v0+s21+$0x10 ss:$0x1] =	vst.idx.msk $0xffff, v5  }
0x18: {  	v60 =	vld.idx.msk [tilespmem:v1+s20+$0xFFFFFFC0 ss:$0x1], $0xffff;
	[tilespmem:v0+s21+$0x20 ss:$0x1] =	vst.idx.msk $0xffff, v7  }
0x19: {  	v61 =	vld.idx.msk [tilespmem:v1+s20+$0xFFFFFFD0 ss:$0x1], $0xffff;
	[tilespmem:v0+s20+$0x30 ss:$0x1] =	vst.idx.msk $0xffff, v56  }
0x1a: {  	v62 =	vld.idx.msk [tilespmem:v1+s20+$0xFFFFFFE0 ss:$0x1], $0xffff;
	s29 =	sshll.u32 s17, $0x9;
	[tilespmem:v0+s20+$0xFFFFFFC0 ss:$0x1] =	vst.idx.msk $0xffff, v57  }
0x1b: {  	v63 =	vld.idx.msk [tilespmem:v1+s20+$0xFFFFFFF0 ss:$0x1], $0xffff;
	s18 =	sshll.u32 s18, $0x3;
	s22 =	sshll.u32 s17, $0x7;
	s21 =	sand.u32 $0x7F000, s29;
	[tilespmem:v0+s20+$0xFFFFFFD0 ss:$0x1] =	vst.idx.msk $0xffff, v58  }
0x1c: {  	s30 =	sand.u32 $0x200, s22;
	s18 =	sor.u32 s21, s18;
	[tilespmem:v0+s20+$0xFFFFFFE0 ss:$0x1] =	vst.idx.msk $0xffff, v59  }
0x1d: {  	s16 =	sshll.u32 s16, $0x10;
	s31 =	sshll.u32 s17, $0x4;
	s18 =	sor.u32 s30, s18;
	[tilespmem:v0+s20+$0xFFFFFFF0 ss:$0x1] =	vst.idx.msk $0xffff, v60  }
0x1e: {  	s17 =	sand.u32 $0x30, s31;
	s16 =	sadd.s32 s3, s16;
	s18 =	sshrl.u32 s18, $0x3;
	[tilespmem:v0+s20+$0x0 ss:$0x1] =	vst.idx.msk $0xffff, v61  }
0x1f: {  	s16 =	sadd.s32 s17, s16;
	[tilespmem:v0+s20+$0x10 ss:$0x1] =	vst.idx.msk $0xffff, v62;
	s18 =	sand.u32 $0xFFC0, s18  }
0x20: {  	[tilespmem:v0+s20+$0x20 ss:$0x1] =	vst.idx.msk $0xffff, v63;
	s16 =	sadd.s32 s18, s16  }
0x21: {  	[hbm4b:s16+s10] =	stream.strided.scatter [tilespmem:s19], [sflag:$0x2], $0x4000, s11, s10, $0x38;
	[tilespmem:$0x10000] =	vst v63  }
.LBB1_5:
0x22: {  	s19 =	sadd.s32 $0x1, s13  }
0x23: {  	s16 =	sadd.s32 $0x400, s14;
	s20 =	smov.u32 s14;
	p1 =	sgt.s32 s19, $0x31  }
0x24: {  	s20 =	smov.u32 @p1 s16  }
0x25: {  	s19 =	simm.s32 @p1 $0x0;
	p1 =	sgt.s32 s20, $0x3FF  }
0x26: {  	s20 =	smov.u32 @p1 s1;
	p1 =	sne.s32 s15, s9  }
.Ltmp1:
0x27: {  	p0 =	slt.u32 s15, $0x2;
	(pc) =	sbr.rel @!p1 .LBB1_6-.Ltmp1, $4  }
0x28: {  	s17 =	smov.u32 s14;
	s18 =	simm.s32 @!p0 $0x2  }
0x29: {  	s12 =	sadd.s32 $0x4000, s12;
	_ =	swait.ge @!p0 [sflag:s18], $0x4000;
	s16 =	smov.u32 s13  }
0x2a: {  	[sflag:s18] =	ssyncset.done @!p0 $0x0;
	s13 =	smov.u32 s19;
	s15 =	sadd.s32 $0x1, s15  }
0x2b: {  	[sflag:s18] =	ssyncadd.s32 @!p0 $0xFFFFC000;
	s18 =	smov.u32 s2;
	s14 =	smov.u32 s20  }
.LBB1_1:
0x2c: {  	p0 =	sge.u32 s15, s6  }
0x2d: {  	s19 =	sshll.u32 @!p0 s13, $0x9  }
0x2e: {  	s20 =	sshll.u32 @!p0 s13, $0x7;
	s19 =	sand.u32 @!p0 $0xFFFFF000, s19  }
0x2f: {  	s20 =	sand.u32 @!p0 $0x200, s20;
	s19 =	sor.u32 @!p0 s8, s19  }
0x30: {  	s19 =	sor.u32 @!p0 s20, s19  }
0x31: {  	s19 =	sshrl.u32 @!p0 s19, $0x9  }
0x32: {  	s20 =	smulhi.u32 @!p0 $0x4924925, s19;
	_ =	sdelay $0x1  }
0x33: {  	s20 =	smul.u32 @!p0 $0x38, s20  }
0x34: {  	s31 =	sadd.s32 $0xFFFFFFFF, s15;
	s21 =	smul.u32 @!p0 $0xE00, s14  }
0x35: {  	s22 =	sxor.u32 @!p0 $0xFFFFFFFF, s15;
	s19 =	ssub.s32 @!p0 s19, s20;
	s20 =	sshll.u32 @!p0 s13, $0x4  }
0x36: {  	s22 =	sshll.u32 @!p0 s22, $0xE;
	s21 =	sadd.s32 @!p0 s7, s21;
	s20 =	sand.u32 @!p0 $0x30, s20  }
0x37: {  	s22 =	sand.u32 @!p0 $0x4000, s22;
	s19 =	sshll.u32 @!p0 s19, $0x6;
	s20 =	sadd.s32 @!p0 s20, s21  }
0x38: {  	s21 =	simm.s32 @!p0 $0x7000;
	s19 =	sadd.s32 @!p0 s19, s20;
	s20 =	simm.s32 @!p0 $0x80  }
0x39: {  	[tilespmem:s22], [sflag:$0x1] =	stream.strided.gather @!p0 [hbm4b:s19+s20], $0x4000, s21, s20, $0x38;
	[tilespmem:$0x10000] =	vst v63  }
0x3a: {  	p0 =	sge.u32 s31, s6  }
.Ltmp2:
0x3b: {  	_ = 	snop;
	(pc) =	sbr.rel @p0 .LBB1_5-.Ltmp2, $1  }
0x3c: {  	_ =	sdelay $0x3  }
0x3d: {  	s19 =	sand.u32 $0x4000, s12  }
0x3e: {  	s20 =	sor.u32 $0x70, s19  }
0x3f: {  	v1 =	vmov s20;
	_ =	sdelay $0x1  }
0x40: {  	_ =	swait.ge [sflag:s5], $0x4000  }
0x41: {  	[sflag:s5] =	ssyncset.done $0x0  }
0x42: {  	s21 =	simm.s32 $0x0;
	[sflag:s5] =	ssyncadd.s32 $0xFFFFC000  }
0x43: {  	s19 =	sor.u32 $0x8040, s19;
	v7 =	vld.idx.msk [tilespmem:v1+s21+$0x0 ss:$0x1], $0xffff  }
0x44: {  	v0 =	vmov s19;
	v8 =	vld.idx.msk [tilespmem:v1+s21+$0xFFFFFF90 ss:$0x1], $0xffff  }
0x45: {  	v6 =	vld.idx.msk [tilespmem:v1+s21+$0xFFFFFFA0 ss:$0x1], $0xffff  }
0x46: {  	v4 =	vld.idx.msk [tilespmem:v1+s21+$0xFFFFFFB0 ss:$0x1], $0xffff  }
0x47: {  	v2 =	vld.idx.msk [tilespmem:v1+s21+$0xFFFFFFC0 ss:$0x1], $0xffff  }
0x48: {  	s31 =	sshll.u32 s15, $0xE;
	v3 =	vld.idx.msk [tilespmem:v1+s21+$0xFFFFFFD0 ss:$0x1], $0xffff  }
0x49: {  	s19 =	sand.u32 $0x4000, s31;
	v5 =	vld.idx.msk [tilespmem:v1+s21+$0xFFFFFFE0 ss:$0x1], $0xffff;
	[tilespmem:v0+s21+$0x30 ss:$0x1] =	vst.idx.msk $0xffff, v7  }
0x4a: {  	s22 =	simm.s32 $0x400;
	s20 =	simm.s32 $0x80;
	s19 =	sor.u32 $0x8000, s19;
	[tilespmem:v0+s21+$0xFFFFFFC0 ss:$0x1] =	vst.idx.msk $0xffff, v8;
	v7 =	vld.idx.msk [tilespmem:v1+s21+$0xFFFFFFF0 ss:$0x1], $0xffff  }
.LBB1_3:
0x4b: {  	p0 =	sne.s32 s22, $0xFE00;
	v8 =	vld.idx.msk [tilespmem:v1+s20+$0x0 ss:$0x1], $0xffff;
	[tilespmem:v0+s21+$0xFFFFFFD0 ss:$0x1] =	vst.idx.msk $0xffff, v6  }
0x4c: {  	v9 =	vld.idx.msk [tilespmem:v1+s20+$0xFFFFFF90 ss:$0x1], $0xffff;
	[tilespmem:v0+s21+$0xFFFFFFE0 ss:$0x1] =	vst.idx.msk $0xffff, v4  }
0x4d: {  	v6 =	vld.idx.msk [tilespmem:v1+s20+$0xFFFFFFA0 ss:$0x1], $0xffff;
	[tilespmem:v0+s21+$0xFFFFFFF0 ss:$0x1] =	vst.idx.msk $0xffff, v2  }
.Ltmp3:
0x4e: {  	v4 =	vld.idx.msk [tilespmem:v1+s20+$0xFFFFFFB0 ss:$0x1], $0xffff;
	[tilespmem:v0+s21+$0x0 ss:$0x1] =	vst.idx.msk $0xffff, v3;
	(pc) =	sbr.rel @p0 .LBB1_3-.Ltmp3, $4  }
0x4f: {  	v2 =	vld.idx.msk [tilespmem:v1+s20+$0xFFFFFFC0 ss:$0x1], $0xffff;
	[tilespmem:v0+s21+$0x10 ss:$0x1] =	vst.idx.msk $0xffff, v5  }
0x50: {  	v3 =	vld.idx.msk [tilespmem:v1+s20+$0xFFFFFFD0 ss:$0x1], $0xffff;
	[tilespmem:v0+s21+$0x20 ss:$0x1] =	vst.idx.msk $0xffff, v7;
	s21 =	smov.u32 s20  }
0x51: {  	v5 =	vld.idx.msk [tilespmem:v1+s21+$0xFFFFFFE0 ss:$0x1], $0xffff;
	[tilespmem:v0+s21+$0x30 ss:$0x1] =	vst.idx.msk $0xffff, v8  }
0x52: {  	s20 =	sshra.s32 s22, $0x2;
	s22 =	sadd.s32 $0x200, s22;
	[tilespmem:v0+s21+$0xFFFFFFC0 ss:$0x1] =	vst.idx.msk $0xffff, v9;
	v7 =	vld.idx.msk [tilespmem:v1+s21+$0xFFFFFFF0 ss:$0x1], $0xffff  }
.Ltmp4:
0x53: {  	_ = 	snop;
	(pc) =	sbr.rel .LBB1_4-.Ltmp4, $1  }
0x54: {  	_ =	sdelay $0x3  }
.LBB1_6:
0x55: {  	_ =	sfence.sel $0x180000  }
0x56: {  	s1 =	simm.s32 $0x1;
	[bflag:$0x0] =	sbarrier.arrive $0xFFFF  }
0x57: {  	s31 =	simm.s32 $0x2;
	[sflag:s1] =	ssyncpa.u1 $0x1  }
0x58: {  	[sflag:s31] =	ssyncpa.u1 $0x1  }
0x59: {  	p0 =	sne.s32 s0, $0x0;
	_ =	strace $0x9000004A  }
0x5a: {  	s0 =	sadd.s32 @!p0 $0x100000, s4;
	[bflag:$0x2] =	sbarrier.arrive $0xFFFF  }
0x5b: {  	[sflag:s0] =	ssyncadd.tile.s32 @!p0 $0x1;
	_ =	shalt  }
.Lfunc_end1:
_tile_overlayer_lowered:
.L_overlay_start_2:
0x5c: {  	(tag) =	ssettag $0x2  }
0x5d: {  	s0 =	rddreg [dreg:$0x0];
	s2 =	stileid.u32  }
0x5e: {  	s1 =	rddreg [dreg:$0x1];
	p0 =	sne.s32 s2, $0x0  }
0x5f: {  	s3 =	rddreg [dreg:$0x2];
	[bflag:$0x3] =	sbarrier.arrive $0xFFFF;
	s2 =	simm.s32 @!p0 $0x1C01  }
0x60: {  	[timem:s3], [sflag:s2] =	dma.local @!p0 [hbm:s0], s1  }
0x61: {  	s0 =	simm.s32 @!p0 $0x1  }
0x62: {  	_ =	swait.ge @!p0 [sflag:s0], s1  }
0x63: {  	s1 =	ssub.s32 @!p0 $0x0, s1;
	[sflag:s0] =	ssyncset.done @!p0 $0x0  }
0x64: {  	[sflag:s0] =	ssyncadd.s32 @!p0 s1  }
0x65: {  	[bflag:$0x3] =	sbarrier.arrive $0xFFFF  }
0x66: {  	_ =	shalt  }

// kernel: sparse-core-data-format-call.cloned.1.call-start
scs
called_computation_lowered:
.L_overlay_start_0:
0x0: {  	s2 =	sld [smem:$0x3FD9]  }
0x1: {  	s3 =	sld [smem:$0x3FFE];
	_ =	sdelay $0x1  }
0x2: {  	s1 =	srdreg.scid  }
0x3: {  	s0 =	sand.u32 $0x1, s1  }
0x4: {  	s16 =	sshll.u32 s0, $0xA;
	s2 =	sadd.s32 s3, s2  }
0x5: {  	s2 =	sadd.s32 s2, s16  }
0x6: {  	[smem:$0x3FAF] =	sst s2  }
0x7: {  	_ = 	snop  }
0x8: {  	s2 =	sld [smem:$0x3FD0];
	_ =	sdelay $0x2  }
0x9: {  	s17 =	simm.s32 $0xC;
	s4 =	simm.s32 $0x10  }
0xa: {  	[smem:s4], [sflag:s17] =	dma.local [hbm:s2], $0x1  }
0xb: {  	_ =	swait.eq [sflag:s17], $0x1  }
0xc: {  	[sflag:s17] =	ssyncset.done $0x0  }
0xd: {  	[sflag:s17] =	ssyncadd.s32 $0xFFFFFFFF  }
0xe: {  	s18 =	sld [smem:$0x13];
	(tm) =	ssettm $0x1  }
0xf: {  	s19 =	sld [smem:$0x3FFB];
	_ =	sdelay $0x3  }
0x10: {  	_ =	strace s19  }
0x11: {  	s2 =	sld [smem:$0x3FFC];
	_ =	sdelay $0x3  }
0x12: {  	_ =	strace s2  }
0x13: {  	s2 =	sld [smem:$0x3FFD];
	_ =	sdelay $0x3  }
0x14: {  	_ =	strace s2  }
0x15: {  	_ =	strace $0x8FFFFFFF  }
0x16: {  	s20 =	sld [smem:$0x3FDB];
	_ =	sdelay $0x1  }
0x17: {  	s21 =	simm.s32 $_scs_section_size  }
0x18: {  	s5 =	simm.s32 $_size__tile_overlayer_lowered;
	s6 =	simm.s32 $_tile_overlayer_lowered  }
0x19: {  	s7 =	simm.s32 $0x1BFF;
	s22 =	sshll.u32 s6, $0x1;
	s4 =	sadd.s32 s21, s20  }
0x1a: {  	s23 =	simm.s32 $0x0;
	s5 =	sshll.u32 s5, $0x1;
	s6 =	sadd.s32 s22, s4  }
0x1b: {  	[timem:s23], [sflag:s7] =	dma.local [hbm:s6], s5  }
0x1c: {  	_ =	swait.ge [sflag:s7], s5  }
0x1d: {  	s5 =	ssub.s32 $0x0, s5;
	[sflag:s7] =	ssyncset.done $0x0  }
0x1e: {  	[sflag:s7] =	ssyncadd.s32 s5;
	_ =	sdelay $0x1  }
0x1f: {  	s24 =	simm.s32 $0x1B8B  }
0x20: {  	_ =	swait.ge [sflag:s24], $0x1  }
0x21: {  	[sflag:s24] =	ssyncset.done $0x0  }
0x22: {  	[sflag:s24] =	ssyncadd.s32 $0xFFFFFFFF  }
0x23: {  	s5 =	sld [smem:$0x0]  }
0x24: {  	s6 =	sand.u32 $0xFFFFFFFE, s1  }
0x25: {  	p0 =	sne.s32 s1, s6  }
0x26: {  	s6 =	sshll.u32 @p0 s6, $0xE  }
0x27: {  	s6 =	sadd.s32 @p0 $0x11B8D, s6;
	s7 =	sshll.u32 @p0 s5, $0x11  }
0x28: {  	s6 =	sor.u32 @p0 s7, s6  }
0x29: {  	[sflag:s6] =	ssyncadd.remote.s32 @p0 $0x1;
	_ =	sdelay $0x1  }
0x2a: {  	s6 =	simm.s32 @p0 $0x1B8D  }
0x2b: {  	_ =	swait.eq @p0 [sflag:s6], $0x1  }
0x2c: {  	[sflag:s6] =	ssyncadd.s32 @p0 $0xFFFFFFFF  }
0x2d: {  	s7 =	sshll.u32 @!p0 s1, $0xE  }
0x2e: {  	s7 =	sor.u32 @!p0 $0x4000, s7;
	s6 =	simm.s32 @!p0 $0x1B8D  }
0x2f: {  	s5 =	sshll.u32 @!p0 s5, $0x11;
	s7 =	sadd.s32 @!p0 $0x11B8D, s7;
	_ =	swait.eq @!p0 [sflag:s6], $0x1  }
0x30: {  	s5 =	sor.u32 @!p0 s5, s7;
	[sflag:s6] =	ssyncadd.s32 @!p0 $0xFFFFFFFF  }
0x31: {  	s26 =	simm.s32 $0x1B8E;
	s25 =	sld [smem:$0x3FFE];
	[sflag:s5] =	ssyncadd.remote.s32 @!p0 $0x1  }
0x32: {  	s27 =	simm.s32 $execute0_lowered;
	[smem:$0x3FD2] =	sst s26  }
0x33: {  	s6 =	sshll.u32 s27, $0x1;
	_ =	strace $0x8000004F;
	[dreg:$0x1] =	wrdreg $0xFFFFFFFF  }
0x34: {  	s28 =	simm.s32 $_size_execute0_lowered;
	s4 =	sadd.s32 s4, s6;
	[dreg:$0x0] =	wrdreg $0x0  }
0x35: {  	s6 =	sshll.u32 s28, $0x1;
	[dreg:$0x2] =	wrdreg s4  }
0x36: {  	[dreg:$0x3] =	wrdreg s6  }
0x37: {  	[dreg:$0x4] =	wrdreg $0xC0  }
0x38: {  	_ =	task [dreg:s23], $0x5FFFF  }
0x39: {  	[dreg:$0x1] =	wrdreg $0xFFFFFFFF  }
0x3a: {  	[dreg:$0x0] =	wrdreg $0x60  }
0x3b: {  	[dreg:$0x2] =	wrdreg s25  }
0x3c: {  	[dreg:$0x3] =	wrdreg s18  }
0x3d: {  	[dreg:$0x4] =	wrdreg $0x9  }
0x3e: {  	_ =	task.clear_ibuf [dreg:s23], $0x5FFFF;
	_ =	strace $0x9000004F  }
0x3f: {  	s29 =	simm.s32 $0x9;
	_ =	strace $0x80000051  }
0x40: {  	_ =	swait.ge [sflag:s29], $0x1  }
0x41: {  	[sflag:s29] =	ssyncadd.s32 $0xFFFFFFFF  }
0x42: {  	_ =	strace $0x90000051  }
0x43: {  	_ =	sfence  }
0x44: {  	s30 =	sld [smem:$0x0];
	_ =	sdelay $0x2  }
0x45: {  	s31 =	sshll.u32 s1, $0xD;
	s1 =	sshrl.u32 s1, $0x2  }
0x46: {  	s4 =	sand.u32 $0x4000, s31;
	s1 =	sadd.s32 s1, s30  }
0x47: {  	s0 =	sor.u32 s4, s0;
	s1 =	sshll.u32 s1, $0x11  }
0x48: {  	s0 =	sor.u32 s1, s0  }
0x49: {  	s0 =	sadd.s32 $0x8F2B, s0  }
0x4a: {  	[sflag:s0] =	ssyncadd.remote.s32 $0x1  }
0x4b: {  	_ =	sfence.sel $0xFFFF  }
0x4c: {  	[dreg:$0x0] =	wrdreg $0xFFFFFFFF;
	(pc) =	sbr.abs _section_cstart, $3  }
0x4d: {  	[dreg:$0x1] =	wrdreg $0xFFFFFFFF  }
0x4e: {  	_ =	task.clear_ibuf [dreg:s23], $0x2FFFF;
	_ =	strace $0x9FFFFFFF  }
0x4f: {  	(tm) =	ssettm $0x7FFFFFFF  }
tec
execute0_lowered:
.L_overlay_start_1:
0x0: {  	(tag) =	ssettag $0x1  }
0x1: {  	s0 =	srdreg.scid  }
0x2: {  	s1 =	sshll.u32 s0, $0x4  }
0x3: {  	s8 =	rddreg [dreg:$0x0];
	s0 =	stileid.u32;
	s1 =	sand.u32 $0x10, s1  }
0x4: {  	s3 =	rddreg [dreg:$0x1];
	s29 =	sshll.u32 s0, $0x7;
	s7 =	sor.u32 s0, s1  }
0x5: {  	s30 =	simm.s32 $0x2;
	s1 =	sand.u32 $0x380, s29;
	s2 =	sshll.u32 s7, $0x4  }
0x6: {  	s18 =	simm.s32 $0x0;
	s4 =	ssub.s32 $0x400, s1;
	s2 =	sand.u32 $0x180, s2  }
0x7: {  	s11 =	simm.s32 $0x1000;
	s5 =	sand.u32 $0x380, s4;
	s6 =	ssub.s32 $0x200, s2  }
0x8: {  	p0 =	sne.s32 s5, $0x0;
	s5 =	simm.s32 $0x1;
	s9 =	sand.u32 $0x180, s6  }
0x9: {  	s5 =	simm.s32 @!p0 $0x0;
	p0 =	sne.s32 s9, $0x0;
	s9 =	simm.s32 $0x1  }
0xa: {  	s10 =	sshrl.u32 s4, $0xA;
	s6 =	sshrl.u32 s6, $0x9;
	s9 =	simm.s32 @!p0 $0x0  }
0xb: {  	s12 =	simm.s32 $0x0;
	s10 =	sadd.s32 s5, s10;
	s6 =	sadd.s32 s9, s6  }
0xc: {  	s16 =	simm.s32 $0x0;
	s17 =	simm.s32 $0x0;
	s6 =	smul.u32 s6, s10  }
.Ltmp0:
0xd: {  	s13 =	simm.s32 $0x0;
	s15 =	simm.s32 $0x0;
	(pc) =	sbr.rel .LBB1_1-.Ltmp0, $4  }
0xe: {  	s31 =	sshll.u32 s7, $0x7;
	s7 =	sadd.s32 $0x704400, s8;
	s4 =	rddreg [dreg:$0x2]  }
0xf: {  	_ =	strace $0x80000050;
	s5 =	simm.s32 $0x1;
	s6 =	smul.u32 $0x32, s6  }
0x10: {  	s14 =	smov.u32 s1;
	s8 =	sand.u32 $0xC00, s31;
	[sflag:s5] =	ssyncpa.u1 $0x0  }
0x11: {  	[sflag:s30] =	ssyncpa.u1 $0x0;
	s10 =	simm.s32 $0x400;
	s9 =	sor.u32 $0x1, s6  }
.LBB1_4:
0x12: {  	_ =	sdelay $0x3  }
0x13: {  	[tilespmem:v0+s21+$0xFFFFFFD0 ss:$0x1] =	vst.idx.msk $0xffff, v6  }
0x14: {  	v56 =	vld.idx.msk [tilespmem:v1+s20+$0x0 ss:$0x1], $0xffff;
	[tilespmem:v0+s21+$0xFFFFFFE0 ss:$0x1] =	vst.idx.msk $0xffff, v4  }
0x15: {  	v57 =	vld.idx.msk [tilespmem:v1+s20+$0xFFFFFF90 ss:$0x1], $0xffff;
	[tilespmem:v0+s21+$0xFFFFFFF0 ss:$0x1] =	vst.idx.msk $0xffff, v2  }
0x16: {  	v58 =	vld.idx.msk [tilespmem:v1+s20+$0xFFFFFFA0 ss:$0x1], $0xffff;
	[tilespmem:v0+s21+$0x0 ss:$0x1] =	vst.idx.msk $0xffff, v3  }
0x17: {  	v59 =	vld.idx.msk [tilespmem:v1+s20+$0xFFFFFFB0 ss:$0x1], $0xffff;
	[tilespmem:v0+s21+$0x10 ss:$0x1] =	vst.idx.msk $0xffff, v5  }
0x18: {  	v60 =	vld.idx.msk [tilespmem:v1+s20+$0xFFFFFFC0 ss:$0x1], $0xffff;
	[tilespmem:v0+s21+$0x20 ss:$0x1] =	vst.idx.msk $0xffff, v7  }
0x19: {  	v61 =	vld.idx.msk [tilespmem:v1+s20+$0xFFFFFFD0 ss:$0x1], $0xffff;
	[tilespmem:v0+s20+$0x30 ss:$0x1] =	vst.idx.msk $0xffff, v56  }
0x1a: {  	v62 =	vld.idx.msk [tilespmem:v1+s20+$0xFFFFFFE0 ss:$0x1], $0xffff;
	s29 =	sshll.u32 s17, $0x9;
	[tilespmem:v0+s20+$0xFFFFFFC0 ss:$0x1] =	vst.idx.msk $0xffff, v57  }
0x1b: {  	v63 =	vld.idx.msk [tilespmem:v1+s20+$0xFFFFFFF0 ss:$0x1], $0xffff;
	s18 =	sshll.u32 s18, $0x3;
	s22 =	sshll.u32 s17, $0x7;
	s21 =	sand.u32 $0x7F000, s29;
	[tilespmem:v0+s20+$0xFFFFFFD0 ss:$0x1] =	vst.idx.msk $0xffff, v58  }
0x1c: {  	s30 =	sand.u32 $0x200, s22;
	s18 =	sor.u32 s21, s18;
	[tilespmem:v0+s20+$0xFFFFFFE0 ss:$0x1] =	vst.idx.msk $0xffff, v59  }
0x1d: {  	s16 =	sshll.u32 s16, $0x10;
	s31 =	sshll.u32 s17, $0x4;
	s18 =	sor.u32 s30, s18;
	[tilespmem:v0+s20+$0xFFFFFFF0 ss:$0x1] =	vst.idx.msk $0xffff, v60  }
0x1e: {  	s17 =	sand.u32 $0x30, s31;
	s16 =	sadd.s32 s3, s16;
	s18 =	sshrl.u32 s18, $0x3;
	[tilespmem:v0+s20+$0x0 ss:$0x1] =	vst.idx.msk $0xffff, v61  }
0x1f: {  	s16 =	sadd.s32 s17, s16;
	[tilespmem:v0+s20+$0x10 ss:$0x1] =	vst.idx.msk $0xffff, v62;
	s18 =	sand.u32 $0xFFC0, s18  }
0x20: {  	[tilespmem:v0+s20+$0x20 ss:$0x1] =	vst.idx.msk $0xffff, v63;
	s16 =	sadd.s32 s18, s16  }
0x21: {  	[hbm4b:s16+s10] =	stream.strided.scatter [tilespmem:s19], [sflag:$0x2], $0x4000, s11, s10, $0x38;
	[tilespmem:$0x10000] =	vst v63  }
.LBB1_5:
0x22: {  	s19 =	sadd.s32 $0x1, s13  }
0x23: {  	s16 =	sadd.s32 $0x400, s14;
	s20 =	smov.u32 s14;
	p1 =	sgt.s32 s19, $0x31  }
0x24: {  	s20 =	smov.u32 @p1 s16  }
0x25: {  	s19 =	simm.s32 @p1 $0x0;
	p1 =	sgt.s32 s20, $0x3FF  }
0x26: {  	s20 =	smov.u32 @p1 s1;
	p1 =	sne.s32 s15, s9  }
.Ltmp1:
0x27: {  	p0 =	slt.u32 s15, $0x2;
	(pc) =	sbr.rel @!p1 .LBB1_6-.Ltmp1, $4  }
0x28: {  	s17 =	smov.u32 s14;
	s18 =	simm.s32 @!p0 $0x2  }
0x29: {  	s12 =	sadd.s32 $0x4000, s12;
	_ =	swait.ge @!p0 [sflag:s18], $0x4000;
	s16 =	smov.u32 s13  }
0x2a: {  	[sflag:s18] =	ssyncset.done @!p0 $0x0;
	s13 =	smov.u32 s19;
	s15 =	sadd.s32 $0x1, s15  }
0x2b: {  	[sflag:s18] =	ssyncadd.s32 @!p0 $0xFFFFC000;
	s18 =	smov.u32 s2;
	s14 =	smov.u32 s20  }
.LBB1_1:
0x2c: {  	p0 =	sge.u32 s15, s6  }
0x2d: {  	s19 =	sshll.u32 @!p0 s13, $0x9  }
0x2e: {  	s20 =	sshll.u32 @!p0 s13, $0x7;
	s19 =	sand.u32 @!p0 $0xFFFFF000, s19  }
0x2f: {  	s20 =	sand.u32 @!p0 $0x200, s20;
	s19 =	sor.u32 @!p0 s8, s19  }
0x30: {  	s19 =	sor.u32 @!p0 s20, s19  }
0x31: {  	s19 =	sshrl.u32 @!p0 s19, $0x9  }
0x32: {  	s20 =	smulhi.u32 @!p0 $0x4924925, s19;
	_ =	sdelay $0x1  }
0x33: {  	s20 =	smul.u32 @!p0 $0x38, s20  }
0x34: {  	s31 =	sadd.s32 $0xFFFFFFFF, s15;
	s21 =	smul.u32 @!p0 $0xE00, s14  }
0x35: {  	s22 =	sxor.u32 @!p0 $0xFFFFFFFF, s15;
	s19 =	ssub.s32 @!p0 s19, s20;
	s20 =	sshll.u32 @!p0 s13, $0x4  }
0x36: {  	s22 =	sshll.u32 @!p0 s22, $0xE;
	s21 =	sadd.s32 @!p0 s7, s21;
	s20 =	sand.u32 @!p0 $0x30, s20  }
0x37: {  	s22 =	sand.u32 @!p0 $0x4000, s22;
	s19 =	sshll.u32 @!p0 s19, $0x6;
	s20 =	sadd.s32 @!p0 s20, s21  }
0x38: {  	s21 =	simm.s32 @!p0 $0x7000;
	s19 =	sadd.s32 @!p0 s19, s20;
	s20 =	simm.s32 @!p0 $0x80  }
0x39: {  	[tilespmem:s22], [sflag:$0x1] =	stream.strided.gather @!p0 [hbm4b:s19+s20], $0x4000, s21, s20, $0x38;
	[tilespmem:$0x10000] =	vst v63  }
0x3a: {  	p0 =	sge.u32 s31, s6  }
.Ltmp2:
0x3b: {  	_ = 	snop;
	(pc) =	sbr.rel @p0 .LBB1_5-.Ltmp2, $1  }
0x3c: {  	_ =	sdelay $0x3  }
0x3d: {  	s19 =	sand.u32 $0x4000, s12  }
0x3e: {  	s20 =	sor.u32 $0x70, s19  }
0x3f: {  	v1 =	vmov s20;
	_ =	sdelay $0x1  }
0x40: {  	_ =	swait.ge [sflag:s5], $0x4000  }
0x41: {  	[sflag:s5] =	ssyncset.done $0x0  }
0x42: {  	s21 =	simm.s32 $0x0;
	[sflag:s5] =	ssyncadd.s32 $0xFFFFC000  }
0x43: {  	s19 =	sor.u32 $0x8040, s19;
	v7 =	vld.idx.msk [tilespmem:v1+s21+$0x0 ss:$0x1], $0xffff  }
0x44: {  	v0 =	vmov s19;
	v8 =	vld.idx.msk [tilespmem:v1+s21+$0xFFFFFF90 ss:$0x1], $0xffff  }
0x45: {  	v6 =	vld.idx.msk [tilespmem:v1+s21+$0xFFFFFFA0 ss:$0x1], $0xffff  }
0x46: {  	v4 =	vld.idx.msk [tilespmem:v1+s21+$0xFFFFFFB0 ss:$0x1], $0xffff  }
0x47: {  	v2 =	vld.idx.msk [tilespmem:v1+s21+$0xFFFFFFC0 ss:$0x1], $0xffff  }
0x48: {  	s31 =	sshll.u32 s15, $0xE;
	v3 =	vld.idx.msk [tilespmem:v1+s21+$0xFFFFFFD0 ss:$0x1], $0xffff  }
0x49: {  	s19 =	sand.u32 $0x4000, s31;
	v5 =	vld.idx.msk [tilespmem:v1+s21+$0xFFFFFFE0 ss:$0x1], $0xffff;
	[tilespmem:v0+s21+$0x30 ss:$0x1] =	vst.idx.msk $0xffff, v7  }
0x4a: {  	s22 =	simm.s32 $0x400;
	s20 =	simm.s32 $0x80;
	s19 =	sor.u32 $0x8000, s19;
	[tilespmem:v0+s21+$0xFFFFFFC0 ss:$0x1] =	vst.idx.msk $0xffff, v8;
	v7 =	vld.idx.msk [tilespmem:v1+s21+$0xFFFFFFF0 ss:$0x1], $0xffff  }
.LBB1_3:
0x4b: {  	p0 =	sne.s32 s22, $0xFE00;
	v8 =	vld.idx.msk [tilespmem:v1+s20+$0x0 ss:$0x1], $0xffff;
	[tilespmem:v0+s21+$0xFFFFFFD0 ss:$0x1] =	vst.idx.msk $0xffff, v6  }
0x4c: {  	v9 =	vld.idx.msk [tilespmem:v1+s20+$0xFFFFFF90 ss:$0x1], $0xffff;
	[tilespmem:v0+s21+$0xFFFFFFE0 ss:$0x1] =	vst.idx.msk $0xffff, v4  }
0x4d: {  	v6 =	vld.idx.msk [tilespmem:v1+s20+$0xFFFFFFA0 ss:$0x1], $0xffff;
	[tilespmem:v0+s21+$0xFFFFFFF0 ss:$0x1] =	vst.idx.msk $0xffff, v2  }
.Ltmp3:
0x4e: {  	v4 =	vld.idx.msk [tilespmem:v1+s20+$0xFFFFFFB0 ss:$0x1], $0xffff;
	[tilespmem:v0+s21+$0x0 ss:$0x1] =	vst.idx.msk $0xffff, v3;
	(pc) =	sbr.rel @p0 .LBB1_3-.Ltmp3, $4  }
0x4f: {  	v2 =	vld.idx.msk [tilespmem:v1+s20+$0xFFFFFFC0 ss:$0x1], $0xffff;
	[tilespmem:v0+s21+$0x10 ss:$0x1] =	vst.idx.msk $0xffff, v5  }
0x50: {  	v3 =	vld.idx.msk [tilespmem:v1+s20+$0xFFFFFFD0 ss:$0x1], $0xffff;
	[tilespmem:v0+s21+$0x20 ss:$0x1] =	vst.idx.msk $0xffff, v7;
	s21 =	smov.u32 s20  }
0x51: {  	v5 =	vld.idx.msk [tilespmem:v1+s21+$0xFFFFFFE0 ss:$0x1], $0xffff;
	[tilespmem:v0+s21+$0x30 ss:$0x1] =	vst.idx.msk $0xffff, v8  }
0x52: {  	s20 =	sshra.s32 s22, $0x2;
	s22 =	sadd.s32 $0x200, s22;
	[tilespmem:v0+s21+$0xFFFFFFC0 ss:$0x1] =	vst.idx.msk $0xffff, v9;
	v7 =	vld.idx.msk [tilespmem:v1+s21+$0xFFFFFFF0 ss:$0x1], $0xffff  }
.Ltmp4:
0x53: {  	_ = 	snop;
	(pc) =	sbr.rel .LBB1_4-.Ltmp4, $1  }
0x54: {  	_ =	sdelay $0x3  }
.LBB1_6:
0x55: {  	_ =	sfence.sel $0x180000  }
0x56: {  	s1 =	simm.s32 $0x1;
	[bflag:$0x0] =	sbarrier.arrive $0xFFFF  }
0x57: {  	s31 =	simm.s32 $0x2;
	[sflag:s1] =	ssyncpa.u1 $0x1  }
0x58: {  	[sflag:s31] =	ssyncpa.u1 $0x1  }
0x59: {  	p0 =	sne.s32 s0, $0x0;
	_ =	strace $0x90000050  }
0x5a: {  	s0 =	sadd.s32 @!p0 $0x100000, s4;
	[bflag:$0x2] =	sbarrier.arrive $0xFFFF  }
0x5b: {  	[sflag:s0] =	ssyncadd.tile.s32 @!p0 $0x1;
	_ =	shalt  }
.Lfunc_end1:
_tile_overlayer_lowered:
.L_overlay_start_2:
0x5c: {  	(tag) =	ssettag $0x2  }
0x5d: {  	s0 =	rddreg [dreg:$0x0];
	s2 =	stileid.u32  }
0x5e: {  	s1 =	rddreg [dreg:$0x1];
	p0 =	sne.s32 s2, $0x0  }
0x5f: {  	s3 =	rddreg [dreg:$0x2];
	[bflag:$0x3] =	sbarrier.arrive $0xFFFF;
	s2 =	simm.s32 @!p0 $0x1C01  }
0x60: {  	[timem:s3], [sflag:s2] =	dma.local @!p0 [hbm:s0], s1  }
0x61: {  	s0 =	simm.s32 @!p0 $0x1  }
0x62: {  	_ =	swait.ge @!p0 [sflag:s0], s1  }
0x63: {  	s1 =	ssub.s32 @!p0 $0x0, s1;
	[sflag:s0] =	ssyncset.done @!p0 $0x0  }
0x64: {  	[sflag:s0] =	ssyncadd.s32 @!p0 s1  }
0x65: {  	[bflag:$0x3] =	sbarrier.arrive $0xFFFF  }
0x66: {  	_ =	shalt  }

</sc_bundles>
